<compile_context>
chip_gen: v7x
topology: tpu7x:2x2x1
jax: 0.10.2.dev20260603
libtpu: 0.0.44.dev20260713+nightly
codegen_flags: <defaults>
</compile_context>

<pallas_src>
import functools

import jax
import jax.numpy as jnp
from jax import lax
from jax.experimental import pallas as pl
from jax.experimental.pallas import tpu as pltpu
from jax.experimental.pallas import tpu_sc as plsc

N = 10000
E = 320000
D = 128

NC = 2
NS = 16
NW = NC * NS

NPAD = 10240
HALF = NPAD // NC
TRASH = HALF
ACC_ROWS = HALF + 8
RPT = HALF // NS

CH = 160
EPT = CH * 128
EPAD = NS * EPT

BR = 1024
NBLK = NPAD // BR

_f32 = jnp.float32



def _deg_body(dst_hbm, out_hbm, dst_v, buf_v, acc, sem):
    c = lax.axis_index("c")
    s = lax.axis_index("s")

    def _zero(i, carry):
        buf_v[pl.ds(i * 16, 16)] = jnp.zeros((16,), _f32)
        return carry

    lax.fori_loop(0, RPT // 16, _zero, 0)
    pltpu.sync_copy(buf_v, acc.at[pl.ds(s * RPT, RPT)])
    plsc.subcore_barrier()

    def _ones(i, carry):
        buf_v[pl.ds(i * 16, 16)] = jnp.ones((16,), _f32)
        return carry

    lax.fori_loop(0, 128 // 16, _ones, 0)
    pltpu.sync_copy(dst_hbm.at[c, s], dst_v)

    def _count(j, carry):
        pltpu.async_copy(buf_v.at[pl.ds(0, 128)], acc.at[dst_v.at[j]], sem,
                         add=True)

        @pl.when(j >= 8)
        def _():
            pltpu.make_async_copy(buf_v.at[pl.ds(0, 128)],
                                  acc.at[dst_v.at[0]], sem).wait()

        return carry

    lax.fori_loop(0, CH, _count, 0)
    for _ in range(8):
        pltpu.make_async_copy(buf_v.at[pl.ds(0, 128)], acc.at[dst_v.at[0]],
                              sem).wait()
    plsc.subcore_barrier()
    pltpu.sync_copy(acc.at[pl.ds(s * RPT, RPT)], out_hbm.at[c, s])


def _agg_body(hp_hbm, src_hbm, dst_hbm, out_hbm, src_v, dst_v, ra, rb, acc,
              sa, sb):
    c = lax.axis_index("c")
    s = lax.axis_index("s")

    def _zero(i, carry):
        ra[i // 8, pl.ds((i % 8) * 16, 16)] = jnp.zeros((16,), _f32)
        return carry

    lax.fori_loop(0, 128 * 8, _zero, 0)
    for k in range(RPT // 128):
        pltpu.sync_copy(ra, acc.at[pl.ds(s * RPT + k * 128, 128)])
    pltpu.sync_copy(ra.at[pl.ds(0, RPT % 128)],
                    acc.at[pl.ds(s * RPT + (RPT // 128) * 128, RPT % 128)])
    plsc.subcore_barrier()

    pltpu.sync_copy(src_hbm.at[s], src_v)
    pltpu.sync_copy(dst_hbm.at[c, s], dst_v)

    pltpu.async_copy(hp_hbm.at[src_v.at[0]], ra, sa)

    def _body(t, carry):
        j0 = 2 * t
        j1 = j0 + 1
        pltpu.make_async_copy(hp_hbm.at[src_v.at[j0]], ra, sa).wait()
        pltpu.async_copy(hp_hbm.at[src_v.at[j1]], rb, sb)
        pltpu.sync_copy(ra, acc.at[dst_v.at[j0]], add=True)
        pltpu.make_async_copy(hp_hbm.at[src_v.at[j1]], rb, sb).wait()

        @pl.when(t < CH // 2 - 1)
        def _():
            pltpu.async_copy(hp_hbm.at[src_v.at[j0 + 2]], ra, sa)

        pltpu.sync_copy(rb, acc.at[dst_v.at[j1]], add=True)
        return carry

    lax.fori_loop(0, CH // 2, _body, 0)
    plsc.subcore_barrier()
    pltpu.sync_copy(acc.at[pl.ds(s * RPT, RPT)], out_hbm.at[c, s])


@functools.cache
def _sc_kernels():
    mesh = plsc.VectorSubcoreMesh(core_axis_name="c", subcore_axis_name="s",
                                  num_cores=NC, num_subcores=NS)
    params = pltpu.CompilerParams(use_tc_tiling_on_sc=False)
    deg = pl.kernel(
        _deg_body,
        out_type=jax.ShapeDtypeStruct((NC, NS, RPT), _f32),
        mesh=mesh,
        scratch_types=[
            pltpu.VMEM((CH, 128), jnp.int32),
            pltpu.VMEM((RPT,), _f32),
            pltpu.VMEM_SHARED((ACC_ROWS,), _f32),
            pltpu.SemaphoreType.DMA,
        ],
        compiler_params=params,
    )
    agg = pl.kernel(
        _agg_body,
        out_type=jax.ShapeDtypeStruct((NC, NS, RPT, D), _f32),
        mesh=mesh,
        scratch_types=[
            pltpu.VMEM((CH, 128), jnp.int32),
            pltpu.VMEM((CH, 128), jnp.int32),
            pltpu.VMEM((128, D), _f32),
            pltpu.VMEM((128, D), _f32),
            pltpu.VMEM_SHARED((ACC_ROWS, D), _f32),
            pltpu.SemaphoreType.DMA,
            pltpu.SemaphoreType.DMA,
        ],
        compiler_params=params,
    )
    return deg, agg



def _mm_scale_body(x_ref, w_ref, d_ref, o_ref):
    o_ref[...] = jnp.dot(x_ref[...], w_ref[...],
                         preferred_element_type=_f32) * d_ref[...]


_mm_scale = pl.pallas_call(
    _mm_scale_body,
    grid=(NBLK,),
    in_specs=[
        pl.BlockSpec((BR, D), lambda i: (i, 0)),
        pl.BlockSpec((D, D), lambda i: (0, 0)),
        pl.BlockSpec((BR, D), lambda i: (i, 0)),
    ],
    out_specs=pl.BlockSpec((BR, D), lambda i: (i, 0)),
    out_shape=jax.ShapeDtypeStruct((NPAD, D), _f32),
)


def _layer_body(s_ref, hp_ref, d_ref, b_ref, w_ref, o_ref):
    t = (s_ref[...] + hp_ref[...]) * d_ref[...] + b_ref[...]
    h = jnp.maximum(t, 0.0)
    o_ref[...] = jnp.dot(h, w_ref[...], preferred_element_type=_f32) * d_ref[...]


_layer = pl.pallas_call(
    _layer_body,
    grid=(NBLK,),
    in_specs=[
        pl.BlockSpec((BR, D), lambda i: (i, 0)),
        pl.BlockSpec((BR, D), lambda i: (i, 0)),
        pl.BlockSpec((BR, D), lambda i: (i, 0)),
        pl.BlockSpec((1, D), lambda i: (0, 0)),
        pl.BlockSpec((D, D), lambda i: (0, 0)),
    ],
    out_specs=pl.BlockSpec((BR, D), lambda i: (i, 0)),
    out_shape=jax.ShapeDtypeStruct((NPAD, D), _f32),
)


def _final_body(s_ref, hp_ref, d_ref, b_ref, o_ref):
    i = pl.program_id(0)
    t = (s_ref[...] + hp_ref[...]) * d_ref[...] + b_ref[...]
    h = jnp.maximum(t, 0.0)
    row = lax.broadcasted_iota(jnp.int32, (BR, D), 0) + i * BR
    h = jnp.where(row < N, h, 0.0)

    @pl.when(i == 0)
    def _():
        o_ref[...] = jnp.zeros_like(o_ref)

    o_ref[...] += jnp.sum(h, axis=0, keepdims=True)


_final = pl.pallas_call(
    _final_body,
    grid=(NBLK,),
    in_specs=[
        pl.BlockSpec((BR, D), lambda i: (i, 0)),
        pl.BlockSpec((BR, D), lambda i: (i, 0)),
        pl.BlockSpec((BR, D), lambda i: (i, 0)),
        pl.BlockSpec((1, D), lambda i: (0, 0)),
    ],
    out_specs=pl.BlockSpec((1, D), lambda i: (0, 0)),
    out_shape=jax.ShapeDtypeStruct((1, D), _f32),
)



def kernel(x, edge_index, W1, b1, W2, b2, Wlin, blin):
    src = edge_index[0].astype(jnp.int32)
    dst = edge_index[1].astype(jnp.int32)
    pad_t = EPT - E // NS
    src2 = src.reshape(NS, E // NS)
    srcp = jnp.concatenate(
        [src2, jnp.zeros((NS, pad_t), jnp.int32)], axis=1).reshape(NS, CH, 128)
    dst2 = dst.reshape(NS, E // NS)
    dst2 = jnp.concatenate(
        [dst2, jnp.full((NS, pad_t), -1, jnp.int32)], axis=1)
    halves = []
    for c in range(NC):
        local = dst2 - c * HALF
        ok = (local >= 0) & (local < HALF)
        halves.append(jnp.where(ok, local, TRASH))
    dstp = jnp.stack(halves).reshape(NC, NS, CH, 128)
    xp = jnp.concatenate(
        [x.astype(_f32), jnp.zeros((NPAD - N, D), _f32)], axis=0)

    _deg_kernel, _agg_kernel = _sc_kernels()
    cnt = _deg_kernel(dstp).reshape(NPAD)
    dinv = lax.rsqrt(cnt + 1.0)
    dinv_b = jnp.broadcast_to(dinv[:, None], (NPAD, D))

    h1p = _mm_scale(xp, W1.astype(_f32), dinv_b)
    S1 = _agg_kernel(h1p, srcp, dstp).reshape(NPAD, D)
    h2p = _layer(S1, h1p, dinv_b, b1.reshape(1, D).astype(_f32),
                 W2.astype(_f32))
    S2 = _agg_kernel(h2p, srcp, dstp).reshape(NPAD, D)
    gsum = _final(S2, h2p, dinv_b, b2.reshape(1, D).astype(_f32))

    out = (gsum * (1.0 / N)) @ Wlin.astype(_f32) + blin.astype(_f32)
    return out

# --- scband reference (transcript-rebuilt; emitter-appended) ---
"""Pipeline reference for scband-gcn-71640054497481 (READ-ONLY COPY).

The authoritative reference and input builder live on the scoring server;
editing this copy changes nothing except your own understanding.
"""

import jax, jax.numpy as jnp
import numpy as np

N_NODES = 10000
N_EDGES = 320000
D_IN = 128
D_H = 128


def gcn_conv(x, edge_index, W, b):
    N = x.shape[0]
    src = edge_index[0]
    dst = edge_index[1]
    loop = jnp.arange(N, dtype=edge_index.dtype)
    src = jnp.concatenate([src, loop])
    dst = jnp.concatenate([dst, loop])
    h = x @ W
    deg = jnp.zeros((N,), dtype=h.dtype).at[dst].add(1.0)
    dinv = jax.lax.rsqrt(deg)
    norm = dinv[src] * dinv[dst]
    msg = h[src] * norm[:, None]
    out = jnp.zeros_like(h).at[dst].add(msg)
    return out + b


def setup_inputs(seed: int = 0) -> dict:
    key = jax.random.key(seed)
    ks = [jax.random.fold_in(key, i) for i in range(8)]
    x = jax.random.normal(ks[0], (N_NODES, D_IN), dtype=jnp.float32)
    edge_index = jax.random.randint(ks[1], (2, N_EDGES), 0, N_NODES, dtype=jnp.int64)
    s1 = 1.0 / np.sqrt(D_IN)
    s2 = 1.0 / np.sqrt(D_H)
    W1 = jax.random.uniform(ks[2], (D_IN, D_H), jnp.float32, -s1, s1)
    b1 = jnp.zeros((D_H,), jnp.float32)
    W2 = jax.random.uniform(ks[3], (D_H, D_H), jnp.float32, -s2, s2)
    b2 = jnp.zeros((D_H,), jnp.float32)
    Wlin = jax.random.uniform(ks[4], (D_H, 1), jnp.float32, -s2, s2)
    blin = jax.random.uniform(ks[5], (1,), jnp.float32, -s2, s2)
    return {"x": x, "edge_index": edge_index, "W1": W1, "b1": b1, "W2": W2, "b2": b2, "Wlin": Wlin, "blin": blin}


def reference(x, edge_index, W1, b1, W2, b2, Wlin, blin):
    h = gcn_conv(x, edge_index, W1, b1)
    h = jax.nn.relu(h)
    # dropout p=0.5 is identity at inference
    h = gcn_conv(h, edge_index, W2, b2)
    h = jax.nn.relu(h)
    # global_mean_pool with batch=zeros -> mean over all nodes
    g = jnp.mean(h, axis=0, keepdims=True)
    out = g @ Wlin + blin
    return out

if __name__ == "__main__":
    import jax
    _d = setup_inputs()
    print(jax.jit(kernel)(*tuple(_d.values())))

</pallas_src>

<mosaic_0001>
#map = affine_map<(d0, d1) -> (0, 0, 0, 0)>
#map1 = affine_map<(d0, d1) -> (0, 0, 0)>
module attributes {stable_mosaic.version = 14 : i64} {
  func.func @_deg_body(%arg0: i32, %arg1: i32, %arg2: memref<2x16x160x128xi32, #tpu.memory_space<hbm>>, %arg3: memref<2x16x320xf32, #tpu.memory_space<hbm>>, %arg4: memref<160x128xi32, #tpu.memory_space<vmem>>, %arg5: memref<320xf32, #tpu.memory_space<vmem>>, %arg6: memref<5128xf32, #tpu.memory_space<vmem_shared>>, %arg7: memref<!tpu.dma_semaphore, #tpu.memory_space<semaphore_mem>>) attributes {dimension_semantics = [#tpu.dimension_semantics<core_parallel>, #tpu.dimension_semantics<subcore_parallel>], iteration_bounds = array<i64: 2, 16>, scalar_prefetch = 0 : i64, scratch_operands = 4 : i64, tpu.core_type = #tpu.core_type<sc_vector_subcore>, window_params = [{transform_indices = #map}, {transform_indices = #map1}]} {
    %scan3A = arith.constant 0 : i32
    %scan3A_0 = arith.constant 0 : i32
    %scan3A_1 = arith.constant 20 : i32
    %scan3A_2 = arith.addi %scan3A_0, %scan3A_1 : i32
    %scan3A_3 = arith.constant 1 : i32
    scf.for %scan3A_84 = %scan3A_0 to %scan3A_2 step %scan3A_3  : i32 {
      %broadcast_in_dim3A = arith.constant 0.000000e+00 : f32
      %broadcast_in_dim3A_85 = vector.broadcast %broadcast_in_dim3A : f32 to vector<16xf32>
      %mul3A_86 = arith.constant 16 : i32
      %mul3A_87 = arith.muli %scan3A_84, %mul3A_86 : i32
      %swap3A = arith.index_cast %mul3A_87 : i32 to index
      %swap3A_88 = tpu.vector_load %arg5[%swap3A] {strides = array<i32>} : memref<320xf32, #tpu.memory_space<vmem>>, vector<16xf32>,
      %swap3A_89 = vector.shape_cast %swap3A_88 : vector<16xf32> to vector<16xf32>
      %swap3A_90 = vector.shape_cast %broadcast_in_dim3A_85 : vector<16xf32> to vector<16xf32>
      tpu.vector_store %arg5[%swap3A], %swap3A_90 {strides = array<i32>} : memref<320xf32, #tpu.memory_space<vmem>>, vector<16xf32>,
    }
    %scan3A_4 = arith.constant 20 : i32
    %mul3A = arith.constant 320 : i32
    %mul3A_5 = arith.muli %arg1, %mul3A : i32
    "tpu.region"() ({
      %run_scoped3A = tpu.sem_alloc : memref<!tpu.dma_semaphore, #tpu.memory_space<semaphore_mem>>
      %dma_start3A = tpu.memref_slice %arg6[%mul3A_5] : memref<5128xf32, #tpu.memory_space<vmem_shared>> -> memref<320xf32, #tpu.memory_space<vmem_shared>>
      %dma_start3A_84 = tpu.memref_slice %arg6[%mul3A_5] : memref<5128xf32, #tpu.memory_space<vmem_shared>> -> memref<320xf32, #tpu.memory_space<vmem_shared>>
      tpu.enqueue_dma source(%arg5 : memref<320xf32, #tpu.memory_space<vmem>>) target(%dma_start3A_84 : memref<320xf32, #tpu.memory_space<vmem_shared>>) target_semaphore(%run_scoped3A : memref<!tpu.dma_semaphore, #tpu.memory_space<semaphore_mem>>)
      %dma_wait3A_85 = tpu.memref_slice %arg6[%mul3A_5] : memref<5128xf32, #tpu.memory_space<vmem_shared>> -> memref<320xf32, #tpu.memory_space<vmem_shared>>
      %dma_wait3A_86 = tpu.memref_slice %arg6[%mul3A_5] : memref<5128xf32, #tpu.memory_space<vmem_shared>> -> memref<320xf32, #tpu.memory_space<vmem_shared>>
      tpu.wait_dma2 semaphore(%run_scoped3A : memref<!tpu.dma_semaphore, #tpu.memory_space<semaphore_mem>>) src(%arg5 : memref<320xf32, #tpu.memory_space<vmem>>) dst(%dma_wait3A_86 : memref<320xf32, #tpu.memory_space<vmem_shared>>)
      tpu.yield
    }) : () -> ()
    %barrier3A = arith.constant 0 : index
    tpu.barrier barrier_id(%barrier3A)
    %scan3A_6 = arith.constant 0 : i32
    %scan3A_7 = arith.constant 0 : i32
    %scan3A_8 = arith.constant 8 : i32
    %scan3A_9 = arith.addi %scan3A_7, %scan3A_8 : i32
    %scan3A_10 = arith.constant 1 : i32
    scf.for %scan3A_84 = %scan3A_7 to %scan3A_9 step %scan3A_10  : i32 {
      %broadcast_in_dim3A = arith.constant 1.000000e+00 : f32
      %broadcast_in_dim3A_85 = vector.broadcast %broadcast_in_dim3A : f32 to vector<16xf32>
      %mul3A_86 = arith.constant 16 : i32
      %mul3A_87 = arith.muli %scan3A_84, %mul3A_86 : i32
      %swap3A = arith.index_cast %mul3A_87 : i32 to index
      %swap3A_88 = tpu.vector_load %arg5[%swap3A] {strides = array<i32>} : memref<320xf32, #tpu.memory_space<vmem>>, vector<16xf32>,
      %swap3A_89 = vector.shape_cast %swap3A_88 : vector<16xf32> to vector<16xf32>
      %swap3A_90 = vector.shape_cast %broadcast_in_dim3A_85 : vector<16xf32> to vector<16xf32>
      tpu.vector_store %arg5[%swap3A], %swap3A_90 {strides = array<i32>} : memref<320xf32, #tpu.memory_space<vmem>>, vector<16xf32>,
    }
    %scan3A_11 = arith.constant 8 : i32
    "tpu.region"() ({
      %run_scoped3A = tpu.sem_alloc : memref<!tpu.dma_semaphore, #tpu.memory_space<semaphore_mem>>
      %dma_start3A = arith.constant 0 : i32
      %dma_start3A_84 = arith.constant 0 : i32
      %dma_start3A_85 = tpu.memref_slice %arg2[%arg0, %arg1, %dma_start3A, %dma_start3A_84] : memref<2x16x160x128xi32, #tpu.memory_space<hbm>> -> memref<1x1x160x128xi32, #tpu.memory_space<hbm>>
      %dma_start3A_86 = tpu.memref_squeeze %dma_start3A_85 : memref<1x1x160x128xi32, #tpu.memory_space<hbm>> -> memref<160x128xi32, #tpu.memory_space<hbm>>
      %dma_start3A_87 = arith.constant 0 : i32
      %dma_start3A_88 = arith.constant 0 : i32
      %dma_start3A_89 = tpu.memref_slice %arg2[%arg0, %arg1, %dma_start3A_87, %dma_start3A_88] : memref<2x16x160x128xi32, #tpu.memory_space<hbm>> -> memref<1x1x160x128xi32, #tpu.memory_space<hbm>>
      %dma_start3A_90 = tpu.memref_squeeze %dma_start3A_89 : memref<1x1x160x128xi32, #tpu.memory_space<hbm>> -> memref<160x128xi32, #tpu.memory_space<hbm>>
      tpu.enqueue_dma source(%dma_start3A_90 : memref<160x128xi32, #tpu.memory_space<hbm>>) target(%arg4 : memref<160x128xi32, #tpu.memory_space<vmem>>) target_semaphore(%run_scoped3A : memref<!tpu.dma_semaphore, #tpu.memory_space<semaphore_mem>>)
      %dma_wait3A_91 = arith.constant 0 : i32
      %dma_wait3A_92 = arith.constant 0 : i32
      %dma_wait3A_93 = tpu.memref_slice %arg2[%arg0, %arg1, %dma_wait3A_91, %dma_wait3A_92] : memref<2x16x160x128xi32, #tpu.memory_space<hbm>> -> memref<1x1x160x128xi32, #tpu.memory_space<hbm>>
      %dma_wait3A_94 = tpu.memref_squeeze %dma_wait3A_93 : memref<1x1x160x128xi32, #tpu.memory_space<hbm>> -> memref<160x128xi32, #tpu.memory_space<hbm>>
      %dma_wait3A_95 = arith.constant 0 : i32
      %dma_wait3A_96 = arith.constant 0 : i32
      %dma_wait3A_97 = tpu.memref_slice %arg2[%arg0, %arg1, %dma_wait3A_95, %dma_wait3A_96] : memref<2x16x160x128xi32, #tpu.memory_space<hbm>> -> memref<1x1x160x128xi32, #tpu.memory_space<hbm>>
      %dma_wait3A_98 = tpu.memref_squeeze %dma_wait3A_97 : memref<1x1x160x128xi32, #tpu.memory_space<hbm>> -> memref<160x128xi32, #tpu.memory_space<hbm>>
      tpu.wait_dma2 semaphore(%run_scoped3A : memref<!tpu.dma_semaphore, #tpu.memory_space<semaphore_mem>>) src(%dma_wait3A_98 : memref<160x128xi32, #tpu.memory_space<hbm>>) dst(%arg4 : memref<160x128xi32, #tpu.memory_space<vmem>>)
      tpu.yield
    }) : () -> ()
    %scan3A_12 = arith.constant 0 : i32
    %scan3A_13 = arith.constant 0 : i32
    %scan3A_14 = arith.constant 160 : i32
    %scan3A_15 = arith.addi %scan3A_13, %scan3A_14 : i32
    %scan3A_16 = arith.constant 1 : i32
    scf.for %scan3A_84 = %scan3A_13 to %scan3A_15 step %scan3A_16  : i32 {
      %dma_start3A = arith.constant 0 : i32
      %dma_start3A_85 = tpu.memref_slice %arg5[%dma_start3A] : memref<320xf32, #tpu.memory_space<vmem>> -> memref<128xf32, #tpu.memory_space<vmem>>
      %dma_start3A_86 = arith.constant 0 : i32
      %dma_start3A_87 = tpu.memref_slice %arg4[%scan3A_84, %dma_start3A_86] : memref<160x128xi32, #tpu.memory_space<vmem>> -> memref<1x128xi32, #tpu.memory_space<vmem>>
      %dma_start3A_88 = tpu.memref_squeeze %dma_start3A_87 : memref<1x128xi32, #tpu.memory_space<vmem>> -> memref<128xi32, #tpu.memory_space<vmem>>
      %dma_start3A_89 = arith.constant 0 : i32
      %dma_start3A_90 = tpu.memref_slice %arg6[%dma_start3A_89] : memref<5128xf32, #tpu.memory_space<vmem_shared>> -> memref<5128xf32, #tpu.memory_space<vmem_shared>>
      tpu.enqueue_indirect_dma source(%dma_start3A_85 : memref<128xf32, #tpu.memory_space<vmem>>) target(%dma_start3A_90 : memref<5128xf32, #tpu.memory_space<vmem_shared>>) offsets(%dma_start3A_88 : memref<128xi32, #tpu.memory_space<vmem>>) semaphore(%arg7 : memref<!tpu.dma_semaphore, #tpu.memory_space<semaphore_mem>>) {add = true}
      %ge3A = arith.constant 8 : i32
      %ge3A_91 = arith.cmpi sge, %scan3A_84, %ge3A : i32
      %convert_element_type3A = arith.extui %ge3A_91 : i1 to i32
      %cond3A = arith.constant 0 : i32
      %cond3A_92 = arith.cmpi ne, %convert_element_type3A, %cond3A : i32
      scf.if %cond3A_92 {
        %dma_wait3A_93 = arith.constant 0 : i32
        %dma_wait3A_94 = arith.constant 0 : i32
        %dma_wait3A_95 = tpu.memref_slice %arg5[%dma_wait3A_94] : memref<320xf32, #tpu.memory_space<vmem>> -> memref<128xf32, #tpu.memory_space<vmem>>
        %dma_wait3A_96 = arith.constant 0 : i32
        %dma_wait3A_97 = tpu.memref_slice %arg4[%dma_wait3A_93, %dma_wait3A_96] : memref<160x128xi32, #tpu.memory_space<vmem>> -> memref<1x128xi32, #tpu.memory_space<vmem>>
        %dma_wait3A_98 = tpu.memref_squeeze %dma_wait3A_97 : memref<1x128xi32, #tpu.memory_space<vmem>> -> memref<128xi32, #tpu.memory_space<vmem>>
        %dma_wait3A_99 = arith.constant 0 : i32
        %dma_wait3A_100 = tpu.memref_slice %arg6[%dma_wait3A_99] : memref<5128xf32, #tpu.memory_space<vmem_shared>> -> memref<5128xf32, #tpu.memory_space<vmem_shared>>
        tpu.wait_indirect_dma semaphore(%arg7 : memref<!tpu.dma_semaphore, #tpu.memory_space<semaphore_mem>>) src(%dma_wait3A_95 : memref<128xf32, #tpu.memory_space<vmem>>) dst(%dma_wait3A_100 : memref<5128xf32, #tpu.memory_space<vmem_shared>>)
      } else {
      }
    }
    %scan3A_17 = arith.constant 160 : i32
    %dma_wait3A = arith.constant 0 : i32
    %dma_wait3A_18 = arith.constant 0 : i32
    %dma_wait3A_19 = tpu.memref_slice %arg5[%dma_wait3A_18] : memref<320xf32, #tpu.memory_space<vmem>> -> memref<128xf32, #tpu.memory_space<vmem>>
    %dma_wait3A_20 = arith.constant 0 : i32
    %dma_wait3A_21 = tpu.memref_slice %arg4[%dma_wait3A, %dma_wait3A_20] : memref<160x128xi32, #tpu.memory_space<vmem>> -> memref<1x128xi32, #tpu.memory_space<vmem>>
    %dma_wait3A_22 = tpu.memref_squeeze %dma_wait3A_21 : memref<1x128xi32, #tpu.memory_space<vmem>> -> memref<128xi32, #tpu.memory_space<vmem>>
    %dma_wait3A_23 = arith.constant 0 : i32
    %dma_wait3A_24 = tpu.memref_slice %arg6[%dma_wait3A_23] : memref<5128xf32, #tpu.memory_space<vmem_shared>> -> memref<5128xf32, #tpu.memory_space<vmem_shared>>
    tpu.wait_indirect_dma semaphore(%arg7 : memref<!tpu.dma_semaphore, #tpu.memory_space<semaphore_mem>>) src(%dma_wait3A_19 : memref<128xf32, #tpu.memory_space<vmem>>) dst(%dma_wait3A_24 : memref<5128xf32, #tpu.memory_space<vmem_shared>>)
    %dma_wait3A_25 = arith.constant 0 : i32
    %dma_wait3A_26 = arith.constant 0 : i32
    %dma_wait3A_27 = tpu.memref_slice %arg5[%dma_wait3A_26] : memref<320xf32, #tpu.memory_space<vmem>> -> memref<128xf32, #tpu.memory_space<vmem>>
    %dma_wait3A_28 = arith.constant 0 : i32
    %dma_wait3A_29 = tpu.memref_slice %arg4[%dma_wait3A_25, %dma_wait3A_28] : memref<160x128xi32, #tpu.memory_space<vmem>> -> memref<1x128xi32, #tpu.memory_space<vmem>>
    %dma_wait3A_30 = tpu.memref_squeeze %dma_wait3A_29 : memref<1x128xi32, #tpu.memory_space<vmem>> -> memref<128xi32, #tpu.memory_space<vmem>>
    %dma_wait3A_31 = arith.constant 0 : i32
    %dma_wait3A_32 = tpu.memref_slice %arg6[%dma_wait3A_31] : memref<5128xf32, #tpu.memory_space<vmem_shared>> -> memref<5128xf32, #tpu.memory_space<vmem_shared>>
    tpu.wait_indirect_dma semaphore(%arg7 : memref<!tpu.dma_semaphore, #tpu.memory_space<semaphore_mem>>) src(%dma_wait3A_27 : memref<128xf32, #tpu.memory_space<vmem>>) dst(%dma_wait3A_32 : memref<5128xf32, #tpu.memory_space<vmem_shared>>)
    %dma_wait3A_33 = arith.constant 0 : i32
    %dma_wait3A_34 = arith.constant 0 : i32
    %dma_wait3A_35 = tpu.memref_slice %arg5[%dma_wait3A_34] : memref<320xf32, #tpu.memory_space<vmem>> -> memref<128xf32, #tpu.memory_space<vmem>>
    %dma_wait3A_36 = arith.constant 0 : i32
    %dma_wait3A_37 = tpu.memref_slice %arg4[%dma_wait3A_33, %dma_wait3A_36] : memref<160x128xi32, #tpu.memory_space<vmem>> -> memref<1x128xi32, #tpu.memory_space<vmem>>
    %dma_wait3A_38 = tpu.memref_squeeze %dma_wait3A_37 : memref<1x128xi32, #tpu.memory_space<vmem>> -> memref<128xi32, #tpu.memory_space<vmem>>
    %dma_wait3A_39 = arith.constant 0 : i32
    %dma_wait3A_40 = tpu.memref_slice %arg6[%dma_wait3A_39] : memref<5128xf32, #tpu.memory_space<vmem_shared>> -> memref<5128xf32, #tpu.memory_space<vmem_shared>>
    tpu.wait_indirect_dma semaphore(%arg7 : memref<!tpu.dma_semaphore, #tpu.memory_space<semaphore_mem>>) src(%dma_wait3A_35 : memref<128xf32, #tpu.memory_space<vmem>>) dst(%dma_wait3A_40 : memref<5128xf32, #tpu.memory_space<vmem_shared>>)
    %dma_wait3A_41 = arith.constant 0 : i32
    %dma_wait3A_42 = arith.constant 0 : i32
    %dma_wait3A_43 = tpu.memref_slice %arg5[%dma_wait3A_42] : memref<320xf32, #tpu.memory_space<vmem>> -> memref<128xf32, #tpu.memory_space<vmem>>
    %dma_wait3A_44 = arith.constant 0 : i32
    %dma_wait3A_45 = tpu.memref_slice %arg4[%dma_wait3A_41, %dma_wait3A_44] : memref<160x128xi32, #tpu.memory_space<vmem>> -> memref<1x128xi32, #tpu.memory_space<vmem>>
    %dma_wait3A_46 = tpu.memref_squeeze %dma_wait3A_45 : memref<1x128xi32, #tpu.memory_space<vmem>> -> memref<128xi32, #tpu.memory_space<vmem>>
    %dma_wait3A_47 = arith.constant 0 : i32
    %dma_wait3A_48 = tpu.memref_slice %arg6[%dma_wait3A_47] : memref<5128xf32, #tpu.memory_space<vmem_shared>> -> memref<5128xf32, #tpu.memory_space<vmem_shared>>
    tpu.wait_indirect_dma semaphore(%arg7 : memref<!tpu.dma_semaphore, #tpu.memory_space<semaphore_mem>>) src(%dma_wait3A_43 : memref<128xf32, #tpu.memory_space<vmem>>) dst(%dma_wait3A_48 : memref<5128xf32, #tpu.memory_space<vmem_shared>>)
    %dma_wait3A_49 = arith.constant 0 : i32
    %dma_wait3A_50 = arith.constant 0 : i32
    %dma_wait3A_51 = tpu.memref_slice %arg5[%dma_wait3A_50] : memref<320xf32, #tpu.memory_space<vmem>> -> memref<128xf32, #tpu.memory_space<vmem>>
    %dma_wait3A_52 = arith.constant 0 : i32
    %dma_wait3A_53 = tpu.memref_slice %arg4[%dma_wait3A_49, %dma_wait3A_52] : memref<160x128xi32, #tpu.memory_space<vmem>> -> memref<1x128xi32, #tpu.memory_space<vmem>>
    %dma_wait3A_54 = tpu.memref_squeeze %dma_wait3A_53 : memref<1x128xi32, #tpu.memory_space<vmem>> -> memref<128xi32, #tpu.memory_space<vmem>>
    %dma_wait3A_55 = arith.constant 0 : i32
    %dma_wait3A_56 = tpu.memref_slice %arg6[%dma_wait3A_55] : memref<5128xf32, #tpu.memory_space<vmem_shared>> -> memref<5128xf32, #tpu.memory_space<vmem_shared>>
    tpu.wait_indirect_dma semaphore(%arg7 : memref<!tpu.dma_semaphore, #tpu.memory_space<semaphore_mem>>) src(%dma_wait3A_51 : memref<128xf32, #tpu.memory_space<vmem>>) dst(%dma_wait3A_56 : memref<5128xf32, #tpu.memory_space<vmem_shared>>)
    %dma_wait3A_57 = arith.constant 0 : i32
    %dma_wait3A_58 = arith.constant 0 : i32
    %dma_wait3A_59 = tpu.memref_slice %arg5[%dma_wait3A_58] : memref<320xf32, #tpu.memory_space<vmem>> -> memref<128xf32, #tpu.memory_space<vmem>>
    %dma_wait3A_60 = arith.constant 0 : i32
    %dma_wait3A_61 = tpu.memref_slice %arg4[%dma_wait3A_57, %dma_wait3A_60] : memref<160x128xi32, #tpu.memory_space<vmem>> -> memref<1x128xi32, #tpu.memory_space<vmem>>
    %dma_wait3A_62 = tpu.memref_squeeze %dma_wait3A_61 : memref<1x128xi32, #tpu.memory_space<vmem>> -> memref<128xi32, #tpu.memory_space<vmem>>
    %dma_wait3A_63 = arith.constant 0 : i32
    %dma_wait3A_64 = tpu.memref_slice %arg6[%dma_wait3A_63] : memref<5128xf32, #tpu.memory_space<vmem_shared>> -> memref<5128xf32, #tpu.memory_space<vmem_shared>>
    tpu.wait_indirect_dma semaphore(%arg7 : memref<!tpu.dma_semaphore, #tpu.memory_space<semaphore_mem>>) src(%dma_wait3A_59 : memref<128xf32, #tpu.memory_space<vmem>>) dst(%dma_wait3A_64 : memref<5128xf32, #tpu.memory_space<vmem_shared>>)
    %dma_wait3A_65 = arith.constant 0 : i32
    %dma_wait3A_66 = arith.constant 0 : i32
    %dma_wait3A_67 = tpu.memref_slice %arg5[%dma_wait3A_66] : memref<320xf32, #tpu.memory_space<vmem>> -> memref<128xf32, #tpu.memory_space<vmem>>
    %dma_wait3A_68 = arith.constant 0 : i32
    %dma_wait3A_69 = tpu.memref_slice %arg4[%dma_wait3A_65, %dma_wait3A_68] : memref<160x128xi32, #tpu.memory_space<vmem>> -> memref<1x128xi32, #tpu.memory_space<vmem>>
    %dma_wait3A_70 = tpu.memref_squeeze %dma_wait3A_69 : memref<1x128xi32, #tpu.memory_space<vmem>> -> memref<128xi32, #tpu.memory_space<vmem>>
    %dma_wait3A_71 = arith.constant 0 : i32
    %dma_wait3A_72 = tpu.memref_slice %arg6[%dma_wait3A_71] : memref<5128xf32, #tpu.memory_space<vmem_shared>> -> memref<5128xf32, #tpu.memory_space<vmem_shared>>
    tpu.wait_indirect_dma semaphore(%arg7 : memref<!tpu.dma_semaphore, #tpu.memory_space<semaphore_mem>>) src(%dma_wait3A_67 : memref<128xf32, #tpu.memory_space<vmem>>) dst(%dma_wait3A_72 : memref<5128xf32, #tpu.memory_space<vmem_shared>>)
    %dma_wait3A_73 = arith.constant 0 : i32
    %dma_wait3A_74 = arith.constant 0 : i32
    %dma_wait3A_75 = tpu.memref_slice %arg5[%dma_wait3A_74] : memref<320xf32, #tpu.memory_space<vmem>> -> memref<128xf32, #tpu.memory_space<vmem>>
    %dma_wait3A_76 = arith.constant 0 : i32
    %dma_wait3A_77 = tpu.memref_slice %arg4[%dma_wait3A_73, %dma_wait3A_76] : memref<160x128xi32, #tpu.memory_space<vmem>> -> memref<1x128xi32, #tpu.memory_space<vmem>>
    %dma_wait3A_78 = tpu.memref_squeeze %dma_wait3A_77 : memref<1x128xi32, #tpu.memory_space<vmem>> -> memref<128xi32, #tpu.memory_space<vmem>>
    %dma_wait3A_79 = arith.constant 0 : i32
    %dma_wait3A_80 = tpu.memref_slice %arg6[%dma_wait3A_79] : memref<5128xf32, #tpu.memory_space<vmem_shared>> -> memref<5128xf32, #tpu.memory_space<vmem_shared>>
    tpu.wait_indirect_dma semaphore(%arg7 : memref<!tpu.dma_semaphore, #tpu.memory_space<semaphore_mem>>) src(%dma_wait3A_75 : memref<128xf32, #tpu.memory_space<vmem>>) dst(%dma_wait3A_80 : memref<5128xf32, #tpu.memory_space<vmem_shared>>)
    %barrier3A_81 = arith.constant 0 : index
    tpu.barrier barrier_id(%barrier3A_81)
    %mul3A_82 = arith.constant 320 : i32
    %mul3A_83 = arith.muli %arg1, %mul3A_82 : i32
    "tpu.region"() ({
      %run_scoped3A = tpu.sem_alloc : memref<!tpu.dma_semaphore, #tpu.memory_space<semaphore_mem>>
      %dma_start3A = arith.constant 0 : i32
      %dma_start3A_84 = tpu.memref_slice %arg3[%arg0, %arg1, %dma_start3A] : memref<2x16x320xf32, #tpu.memory_space<hbm>> -> memref<1x1x320xf32, #tpu.memory_space<hbm>>
      %dma_start3A_85 = tpu.memref_squeeze %dma_start3A_84 : memref<1x1x320xf32, #tpu.memory_space<hbm>> -> memref<320xf32, #tpu.memory_space<hbm>>
      %dma_start3A_86 = tpu.memref_slice %arg6[%mul3A_83] : memref<5128xf32, #tpu.memory_space<vmem_shared>> -> memref<320xf32, #tpu.memory_space<vmem_shared>>
      tpu.enqueue_dma source(%dma_start3A_86 : memref<320xf32, #tpu.memory_space<vmem_shared>>) target(%dma_start3A_85 : memref<320xf32, #tpu.memory_space<hbm>>) target_semaphore(%run_scoped3A : memref<!tpu.dma_semaphore, #tpu.memory_space<semaphore_mem>>)
      %dma_wait3A_87 = arith.constant 0 : i32
      %dma_wait3A_88 = tpu.memref_slice %arg3[%arg0, %arg1, %dma_wait3A_87] : memref<2x16x320xf32, #tpu.memory_space<hbm>> -> memref<1x1x320xf32, #tpu.memory_space<hbm>>
      %dma_wait3A_89 = tpu.memref_squeeze %dma_wait3A_88 : memref<1x1x320xf32, #tpu.memory_space<hbm>> -> memref<320xf32, #tpu.memory_space<hbm>>
      %dma_wait3A_90 = tpu.memref_slice %arg6[%mul3A_83] : memref<5128xf32, #tpu.memory_space<vmem_shared>> -> memref<320xf32, #tpu.memory_space<vmem_shared>>
      tpu.wait_dma2 semaphore(%run_scoped3A : memref<!tpu.dma_semaphore, #tpu.memory_space<semaphore_mem>>) src(%dma_wait3A_90 : memref<320xf32, #tpu.memory_space<vmem_shared>>) dst(%dma_wait3A_89 : memref<320xf32, #tpu.memory_space<hbm>>)
      tpu.yield
    }) : () -> ()
    return
  }
}

#map = affine_map<(d0, d1) -> (0, 0)>
#map1 = affine_map<(d0, d1) -> (0, 0, 0)>
#map2 = affine_map<(d0, d1) -> (0, 0, 0, 0)>
module attributes {stable_mosaic.version = 14 : i64} {
  func.func @_agg_body(%arg0: i32, %arg1: i32, %arg2: memref<10240x128xf32, #tpu.memory_space<hbm>>, %arg3: memref<16x160x128xi32, #tpu.memory_space<hbm>>, %arg4: memref<2x16x160x128xi32, #tpu.memory_space<hbm>>, %arg5: memref<2x16x320x128xf32, #tpu.memory_space<hbm>>, %arg6: memref<160x128xi32, #tpu.memory_space<vmem>>, %arg7: memref<160x128xi32, #tpu.memory_space<vmem>>, %arg8: memref<128x128xf32, #tpu.memory_space<vmem>>, %arg9: memref<128x128xf32, #tpu.memory_space<vmem>>, %arg10: memref<5128x128xf32, #tpu.memory_space<vmem_shared>>, %arg11: memref<!tpu.dma_semaphore, #tpu.memory_space<semaphore_mem>>, %arg12: memref<!tpu.dma_semaphore, #tpu.memory_space<semaphore_mem>>) attributes {dimension_semantics = [#tpu.dimension_semantics<core_parallel>, #tpu.dimension_semantics<subcore_parallel>], iteration_bounds = array<i64: 2, 16>, scalar_prefetch = 0 : i64, scratch_operands = 7 : i64, tpu.core_type = #tpu.core_type<sc_vector_subcore>, window_params = [{transform_indices = #map}, {transform_indices = #map1}, {transform_indices = #map2}, {transform_indices = #map2}]} {
    %scan3A = arith.constant 0 : i32
    %scan3A_0 = arith.constant 0 : i32
    %scan3A_1 = arith.constant 1024 : i32
    %scan3A_2 = arith.addi %scan3A_0, %scan3A_1 : i32
    %scan3A_3 = arith.constant 1 : i32
    scf.for %scan3A_30 = %scan3A_0 to %scan3A_2 step %scan3A_3  : i32 {
      %broadcast_in_dim3A = arith.constant 0.000000e+00 : f32
      %broadcast_in_dim3A_31 = vector.broadcast %broadcast_in_dim3A : f32 to vector<16xf32>
      %jit3A = arith.constant 8 : i32
      %div3A = arith.divsi %scan3A_30, %jit3A : i32
      %sign3A = arith.constant 0 : i32
      %sign3A_32 = arith.cmpi sgt, %scan3A_30, %sign3A : i32
      %sign3A_33 = arith.extui %sign3A_32 : i1 to i32
      %sign3A_34 = arith.constant 0 : i32
      %sign3A_35 = arith.cmpi slt, %scan3A_30, %sign3A_34 : i32
      %sign3A_36 = arith.extui %sign3A_35 : i1 to i32
      %sign3A_37 = arith.subi %sign3A_33, %sign3A_36 : i32
      %sign3A_38 = arith.constant 0 : i32
      %sign3A_39 = arith.cmpi sgt, %jit3A, %sign3A_38 : i32
      %sign3A_40 = arith.extui %sign3A_39 : i1 to i32
      %sign3A_41 = arith.constant 0 : i32
      %sign3A_42 = arith.cmpi slt, %jit3A, %sign3A_41 : i32
      %sign3A_43 = arith.extui %sign3A_42 : i1 to i32
      %sign3A_44 = arith.subi %sign3A_40, %sign3A_43 : i32
      %ne3A = arith.cmpi ne, %sign3A_37, %sign3A_44 : i32
      %rem3A = arith.remsi %scan3A_30, %jit3A : i32
      %ne3A_45 = arith.constant 0 : i32
      %ne3A_46 = arith.cmpi ne, %rem3A, %ne3A_45 : i32
      %and3A = arith.andi %ne3A, %ne3A_46 : i1
      %sub3A = arith.constant 1 : i32
      %sub3A_47 = arith.subi %div3A, %sub3A : i32
      %select_n3A = arith.select %and3A, %sub3A_47, %div3A : i32
      %jit3A_48 = arith.constant 8 : i32
      %eq3A = arith.constant 0 : i32
      %eq3A_49 = arith.cmpi eq, %jit3A_48, %eq3A : i32
      %jit3A_50 = arith.constant 1 : i32
      %select_n3A_51 = arith.select %eq3A_49, %jit3A_50, %jit3A_48 : i32
      %rem3A_52 = arith.remsi %scan3A_30, %select_n3A_51 : i32
      %ne3A_53 = arith.constant 0 : i32
      %ne3A_54 = arith.cmpi ne, %rem3A_52, %ne3A_53 : i32
      %lt3A = arith.constant 0 : i32
      %lt3A_55 = arith.cmpi slt, %rem3A_52, %lt3A : i32
      %lt3A_56 = arith.constant 0 : i32
      %lt3A_57 = arith.cmpi slt, %select_n3A_51, %lt3A_56 : i32
      %ne3A_58 = arith.xori %lt3A_55, %lt3A_57 : i1
      %and3A_59 = arith.andi %ne3A_58, %ne3A_54 : i1
      %add3A_60 = arith.addi %rem3A_52, %select_n3A_51 : i32
      %select_n3A_61 = arith.select %and3A_59, %add3A_60, %rem3A_52 : i32
      %mul3A_62 = arith.constant 16 : i32
      %mul3A_63 = arith.muli %select_n3A_61, %mul3A_62 : i32
      %swap3A = arith.index_cast %select_n3A : i32 to index
      %swap3A_64 = arith.index_cast %mul3A_63 : i32 to index
      %swap3A_65 = tpu.vector_load %arg8[%swap3A, %swap3A_64] {strides = array<i32>} : memref<128x128xf32, #tpu.memory_space<vmem>>, vector<1x16xf32>,
      %swap3A_66 = vector.shape_cast %swap3A_65 : vector<1x16xf32> to vector<16xf32>
      %swap3A_67 = vector.shape_cast %broadcast_in_dim3A_31 : vector<16xf32> to vector<1x16xf32>
      tpu.vector_store %arg8[%swap3A, %swap3A_64], %swap3A_67 {strides = array<i32>} : memref<128x128xf32, #tpu.memory_space<vmem>>, vector<1x16xf32>,
    }
    %scan3A_4 = arith.constant 1024 : i32
    %mul3A = arith.constant 320 : i32
    %mul3A_5 = arith.muli %arg1, %mul3A : i32
    %add3A = arith.constant 0 : i32
    %add3A_6 = arith.addi %mul3A_5, %add3A : i32
    "tpu.region"() ({
      %run_scoped3A = tpu.sem_alloc : memref<!tpu.dma_semaphore, #tpu.memory_space<semaphore_mem>>
      %dma_start3A_30 = arith.constant 0 : i32
      %dma_start3A_31 = tpu.memref_slice %arg10[%add3A_6, %dma_start3A_30] : memref<5128x128xf32, #tpu.memory_space<vmem_shared>> -> memref<128x128xf32, #tpu.memory_space<vmem_shared>>
      %dma_start3A_32 = arith.constant 0 : i32
      %dma_start3A_33 = tpu.memref_slice %arg10[%add3A_6, %dma_start3A_32] : memref<5128x128xf32, #tpu.memory_space<vmem_shared>> -> memref<128x128xf32, #tpu.memory_space<vmem_shared>>
      tpu.enqueue_dma source(%arg8 : memref<128x128xf32, #tpu.memory_space<vmem>>) target(%dma_start3A_33 : memref<128x128xf32, #tpu.memory_space<vmem_shared>>) target_semaphore(%run_scoped3A : memref<!tpu.dma_semaphore, #tpu.memory_space<semaphore_mem>>)
      %dma_wait3A = arith.constant 0 : i32
      %dma_wait3A_34 = tpu.memref_slice %arg10[%add3A_6, %dma_wait3A] : memref<5128x128xf32, #tpu.memory_space<vmem_shared>> -> memref<128x128xf32, #tpu.memory_space<vmem_shared>>
      %dma_wait3A_35 = arith.constant 0 : i32
      %dma_wait3A_36 = tpu.memref_slice %arg10[%add3A_6, %dma_wait3A_35] : memref<5128x128xf32, #tpu.memory_space<vmem_shared>> -> memref<128x128xf32, #tpu.memory_space<vmem_shared>>
      tpu.wait_dma2 semaphore(%run_scoped3A : memref<!tpu.dma_semaphore, #tpu.memory_space<semaphore_mem>>) src(%arg8 : memref<128x128xf32, #tpu.memory_space<vmem>>) dst(%dma_wait3A_36 : memref<128x128xf32, #tpu.memory_space<vmem_shared>>)
      tpu.yield
    }) : () -> ()
    %mul3A_7 = arith.constant 320 : i32
    %mul3A_8 = arith.muli %arg1, %mul3A_7 : i32
    %add3A_9 = arith.constant 128 : i32
    %add3A_10 = arith.addi %mul3A_8, %add3A_9 : i32
    "tpu.region"() ({
      %run_scoped3A = tpu.sem_alloc : memref<!tpu.dma_semaphore, #tpu.memory_space<semaphore_mem>>
      %dma_start3A_30 = arith.constant 0 : i32
      %dma_start3A_31 = tpu.memref_slice %arg10[%add3A_10, %dma_start3A_30] : memref<5128x128xf32, #tpu.memory_space<vmem_shared>> -> memref<128x128xf32, #tpu.memory_space<vmem_shared>>
      %dma_start3A_32 = arith.constant 0 : i32
      %dma_start3A_33 = tpu.memref_slice %arg10[%add3A_10, %dma_start3A_32] : memref<5128x128xf32, #tpu.memory_space<vmem_shared>> -> memref<128x128xf32, #tpu.memory_space<vmem_shared>>
      tpu.enqueue_dma source(%arg8 : memref<128x128xf32, #tpu.memory_space<vmem>>) target(%dma_start3A_33 : memref<128x128xf32, #tpu.memory_space<vmem_shared>>) target_semaphore(%run_scoped3A : memref<!tpu.dma_semaphore, #tpu.memory_space<semaphore_mem>>)
      %dma_wait3A = arith.constant 0 : i32
      %dma_wait3A_34 = tpu.memref_slice %arg10[%add3A_10, %dma_wait3A] : memref<5128x128xf32, #tpu.memory_space<vmem_shared>> -> memref<128x128xf32, #tpu.memory_space<vmem_shared>>
      %dma_wait3A_35 = arith.constant 0 : i32
      %dma_wait3A_36 = tpu.memref_slice %arg10[%add3A_10, %dma_wait3A_35] : memref<5128x128xf32, #tpu.memory_space<vmem_shared>> -> memref<128x128xf32, #tpu.memory_space<vmem_shared>>
      tpu.wait_dma2 semaphore(%run_scoped3A : memref<!tpu.dma_semaphore, #tpu.memory_space<semaphore_mem>>) src(%arg8 : memref<128x128xf32, #tpu.memory_space<vmem>>) dst(%dma_wait3A_36 : memref<128x128xf32, #tpu.memory_space<vmem_shared>>)
      tpu.yield
    }) : () -> ()
    %mul3A_11 = arith.constant 320 : i32
    %mul3A_12 = arith.muli %arg1, %mul3A_11 : i32
    %add3A_13 = arith.constant 256 : i32
    %add3A_14 = arith.addi %mul3A_12, %add3A_13 : i32
    "tpu.region"() ({
      %run_scoped3A = tpu.sem_alloc : memref<!tpu.dma_semaphore, #tpu.memory_space<semaphore_mem>>
      %dma_start3A_30 = arith.constant 0 : i32
      %dma_start3A_31 = arith.constant 0 : i32
      %dma_start3A_32 = tpu.memref_slice %arg8[%dma_start3A_30, %dma_start3A_31] : memref<128x128xf32, #tpu.memory_space<vmem>> -> memref<64x128xf32, #tpu.memory_space<vmem>>
      %dma_start3A_33 = arith.constant 0 : i32
      %dma_start3A_34 = tpu.memref_slice %arg10[%add3A_14, %dma_start3A_33] : memref<5128x128xf32, #tpu.memory_space<vmem_shared>> -> memref<64x128xf32, #tpu.memory_space<vmem_shared>>
      %dma_start3A_35 = arith.constant 0 : i32
      %dma_start3A_36 = tpu.memref_slice %arg10[%add3A_14, %dma_start3A_35] : memref<5128x128xf32, #tpu.memory_space<vmem_shared>> -> memref<64x128xf32, #tpu.memory_space<vmem_shared>>
      %dma_start3A_37 = arith.constant 0 : i32
      %dma_start3A_38 = arith.constant 0 : i32
      %dma_start3A_39 = tpu.memref_slice %arg8[%dma_start3A_37, %dma_start3A_38] : memref<128x128xf32, #tpu.memory_space<vmem>> -> memref<64x128xf32, #tpu.memory_space<vmem>>
      tpu.enqueue_dma source(%dma_start3A_39 : memref<64x128xf32, #tpu.memory_space<vmem>>) target(%dma_start3A_36 : memref<64x128xf32, #tpu.memory_space<vmem_shared>>) target_semaphore(%run_scoped3A : memref<!tpu.dma_semaphore, #tpu.memory_space<semaphore_mem>>)
      %dma_wait3A = arith.constant 0 : i32
      %dma_wait3A_40 = arith.constant 0 : i32
      %dma_wait3A_41 = tpu.memref_slice %arg8[%dma_wait3A, %dma_wait3A_40] : memref<128x128xf32, #tpu.memory_space<vmem>> -> memref<64x128xf32, #tpu.memory_space<vmem>>
      %dma_wait3A_42 = arith.constant 0 : i32
      %dma_wait3A_43 = tpu.memref_slice %arg10[%add3A_14, %dma_wait3A_42] : memref<5128x128xf32, #tpu.memory_space<vmem_shared>> -> memref<64x128xf32, #tpu.memory_space<vmem_shared>>
      %dma_wait3A_44 = arith.constant 0 : i32
      %dma_wait3A_45 = tpu.memref_slice %arg10[%add3A_14, %dma_wait3A_44] : memref<5128x128xf32, #tpu.memory_space<vmem_shared>> -> memref<64x128xf32, #tpu.memory_space<vmem_shared>>
      %dma_wait3A_46 = arith.constant 0 : i32
      %dma_wait3A_47 = arith.constant 0 : i32
      %dma_wait3A_48 = tpu.memref_slice %arg8[%dma_wait3A_46, %dma_wait3A_47] : memref<128x128xf32, #tpu.memory_space<vmem>> -> memref<64x128xf32, #tpu.memory_space<vmem>>
      tpu.wait_dma2 semaphore(%run_scoped3A : memref<!tpu.dma_semaphore, #tpu.memory_space<semaphore_mem>>) src(%dma_wait3A_48 : memref<64x128xf32, #tpu.memory_space<vmem>>) dst(%dma_wait3A_45 : memref<64x128xf32, #tpu.memory_space<vmem_shared>>)
      tpu.yield
    }) : () -> ()
    %barrier3A = arith.constant 0 : index
    tpu.barrier barrier_id(%barrier3A)
    "tpu.region"() ({
      %run_scoped3A = tpu.sem_alloc : memref<!tpu.dma_semaphore, #tpu.memory_space<semaphore_mem>>
      %dma_start3A_30 = arith.constant 0 : i32
      %dma_start3A_31 = arith.constant 0 : i32
      %dma_start3A_32 = tpu.memref_slice %arg3[%arg1, %dma_start3A_30, %dma_start3A_31] : memref<16x160x128xi32, #tpu.memory_space<hbm>> -> memref<1x160x128xi32, #tpu.memory_space<hbm>>
      %dma_start3A_33 = tpu.memref_squeeze %dma_start3A_32 : memref<1x160x128xi32, #tpu.memory_space<hbm>> -> memref<160x128xi32, #tpu.memory_space<hbm>>
      %dma_start3A_34 = arith.constant 0 : i32
      %dma_start3A_35 = arith.constant 0 : i32
      %dma_start3A_36 = tpu.memref_slice %arg3[%arg1, %dma_start3A_34, %dma_start3A_35] : memref<16x160x128xi32, #tpu.memory_space<hbm>> -> memref<1x160x128xi32, #tpu.memory_space<hbm>>
      %dma_start3A_37 = tpu.memref_squeeze %dma_start3A_36 : memref<1x160x128xi32, #tpu.memory_space<hbm>> -> memref<160x128xi32, #tpu.memory_space<hbm>>
      tpu.enqueue_dma source(%dma_start3A_37 : memref<160x128xi32, #tpu.memory_space<hbm>>) target(%arg6 : memref<160x128xi32, #tpu.memory_space<vmem>>) target_semaphore(%run_scoped3A : memref<!tpu.dma_semaphore, #tpu.memory_space<semaphore_mem>>)
      %dma_wait3A = arith.constant 0 : i32
      %dma_wait3A_38 = arith.constant 0 : i32
      %dma_wait3A_39 = tpu.memref_slice %arg3[%arg1, %dma_wait3A, %dma_wait3A_38] : memref<16x160x128xi32, #tpu.memory_space<hbm>> -> memref<1x160x128xi32, #tpu.memory_space<hbm>>
      %dma_wait3A_40 = tpu.memref_squeeze %dma_wait3A_39 : memref<1x160x128xi32, #tpu.memory_space<hbm>> -> memref<160x128xi32, #tpu.memory_space<hbm>>
      %dma_wait3A_41 = arith.constant 0 : i32
      %dma_wait3A_42 = arith.constant 0 : i32
      %dma_wait3A_43 = tpu.memref_slice %arg3[%arg1, %dma_wait3A_41, %dma_wait3A_42] : memref<16x160x128xi32, #tpu.memory_space<hbm>> -> memref<1x160x128xi32, #tpu.memory_space<hbm>>
      %dma_wait3A_44 = tpu.memref_squeeze %dma_wait3A_43 : memref<1x160x128xi32, #tpu.memory_space<hbm>> -> memref<160x128xi32, #tpu.memory_space<hbm>>
      tpu.wait_dma2 semaphore(%run_scoped3A : memref<!tpu.dma_semaphore, #tpu.memory_space<semaphore_mem>>) src(%dma_wait3A_44 : memref<160x128xi32, #tpu.memory_space<hbm>>) dst(%arg6 : memref<160x128xi32, #tpu.memory_space<vmem>>)
      tpu.yield
    }) : () -> ()
    "tpu.region"() ({
      %run_scoped3A = tpu.sem_alloc : memref<!tpu.dma_semaphore, #tpu.memory_space<semaphore_mem>>
      %dma_start3A_30 = arith.constant 0 : i32
      %dma_start3A_31 = arith.constant 0 : i32
      %dma_start3A_32 = tpu.memref_slice %arg4[%arg0, %arg1, %dma_start3A_30, %dma_start3A_31] : memref<2x16x160x128xi32, #tpu.memory_space<hbm>> -> memref<1x1x160x128xi32, #tpu.memory_space<hbm>>
      %dma_start3A_33 = tpu.memref_squeeze %dma_start3A_32 : memref<1x1x160x128xi32, #tpu.memory_space<hbm>> -> memref<160x128xi32, #tpu.memory_space<hbm>>
      %dma_start3A_34 = arith.constant 0 : i32
      %dma_start3A_35 = arith.constant 0 : i32
      %dma_start3A_36 = tpu.memref_slice %arg4[%arg0, %arg1, %dma_start3A_34, %dma_start3A_35] : memref<2x16x160x128xi32, #tpu.memory_space<hbm>> -> memref<1x1x160x128xi32, #tpu.memory_space<hbm>>
      %dma_start3A_37 = tpu.memref_squeeze %dma_start3A_36 : memref<1x1x160x128xi32, #tpu.memory_space<hbm>> -> memref<160x128xi32, #tpu.memory_space<hbm>>
      tpu.enqueue_dma source(%dma_start3A_37 : memref<160x128xi32, #tpu.memory_space<hbm>>) target(%arg7 : memref<160x128xi32, #tpu.memory_space<vmem>>) target_semaphore(%run_scoped3A : memref<!tpu.dma_semaphore, #tpu.memory_space<semaphore_mem>>)
      %dma_wait3A = arith.constant 0 : i32
      %dma_wait3A_38 = arith.constant 0 : i32
      %dma_wait3A_39 = tpu.memref_slice %arg4[%arg0, %arg1, %dma_wait3A, %dma_wait3A_38] : memref<2x16x160x128xi32, #tpu.memory_space<hbm>> -> memref<1x1x160x128xi32, #tpu.memory_space<hbm>>
      %dma_wait3A_40 = tpu.memref_squeeze %dma_wait3A_39 : memref<1x1x160x128xi32, #tpu.memory_space<hbm>> -> memref<160x128xi32, #tpu.memory_space<hbm>>
      %dma_wait3A_41 = arith.constant 0 : i32
      %dma_wait3A_42 = arith.constant 0 : i32
      %dma_wait3A_43 = tpu.memref_slice %arg4[%arg0, %arg1, %dma_wait3A_41, %dma_wait3A_42] : memref<2x16x160x128xi32, #tpu.memory_space<hbm>> -> memref<1x1x160x128xi32, #tpu.memory_space<hbm>>
      %dma_wait3A_44 = tpu.memref_squeeze %dma_wait3A_43 : memref<1x1x160x128xi32, #tpu.memory_space<hbm>> -> memref<160x128xi32, #tpu.memory_space<hbm>>
      tpu.wait_dma2 semaphore(%run_scoped3A : memref<!tpu.dma_semaphore, #tpu.memory_space<semaphore_mem>>) src(%dma_wait3A_44 : memref<160x128xi32, #tpu.memory_space<hbm>>) dst(%arg7 : memref<160x128xi32, #tpu.memory_space<vmem>>)
      tpu.yield
    }) : () -> ()
    %dma_start3A = arith.constant 0 : i32
    %dma_start3A_15 = arith.constant 0 : i32
    %dma_start3A_16 = tpu.memref_slice %arg6[%dma_start3A, %dma_start3A_15] : memref<160x128xi32, #tpu.memory_space<vmem>> -> memref<1x128xi32, #tpu.memory_space<vmem>>
    %dma_start3A_17 = tpu.memref_squeeze %dma_start3A_16 : memref<1x128xi32, #tpu.memory_space<vmem>> -> memref<128xi32, #tpu.memory_space<vmem>>
    %dma_start3A_18 = arith.constant 0 : i32
    %dma_start3A_19 = arith.constant 0 : i32
    %dma_start3A_20 = tpu.memref_slice %arg2[%dma_start3A_18, %dma_start3A_19] : memref<10240x128xf32, #tpu.memory_space<hbm>> -> memref<10240x128xf32, #tpu.memory_space<hbm>>
    tpu.enqueue_indirect_dma source(%dma_start3A_20 : memref<10240x128xf32, #tpu.memory_space<hbm>>) target(%arg8 : memref<128x128xf32, #tpu.memory_space<vmem>>) offsets(%dma_start3A_17 : memref<128xi32, #tpu.memory_space<vmem>>) semaphore(%arg11 : memref<!tpu.dma_semaphore, #tpu.memory_space<semaphore_mem>>)
    %scan3A_21 = arith.constant 0 : i32
    %scan3A_22 = arith.constant 0 : i32
    %scan3A_23 = arith.constant 80 : i32
    %scan3A_24 = arith.addi %scan3A_22, %scan3A_23 : i32
    %scan3A_25 = arith.constant 1 : i32
    scf.for %scan3A_30 = %scan3A_22 to %scan3A_24 step %scan3A_25  : i32 {
      %mul3A_31 = arith.constant 2 : i32
      %mul3A_32 = arith.muli %mul3A_31, %scan3A_30 : i32
      %add3A_33 = arith.constant 1 : i32
      %add3A_34 = arith.addi %mul3A_32, %add3A_33 : i32
      %dma_wait3A = arith.constant 0 : i32
      %dma_wait3A_35 = tpu.memref_slice %arg6[%mul3A_32, %dma_wait3A] : memref<160x128xi32, #tpu.memory_space<vmem>> -> memref<1x128xi32, #tpu.memory_space<vmem>>
      %dma_wait3A_36 = tpu.memref_squeeze %dma_wait3A_35 : memref<1x128xi32, #tpu.memory_space<vmem>> -> memref<128xi32, #tpu.memory_space<vmem>>
      %dma_wait3A_37 = arith.constant 0 : i32
      %dma_wait3A_38 = arith.constant 0 : i32
      %dma_wait3A_39 = tpu.memref_slice %arg2[%dma_wait3A_37, %dma_wait3A_38] : memref<10240x128xf32, #tpu.memory_space<hbm>> -> memref<10240x128xf32, #tpu.memory_space<hbm>>
      tpu.wait_indirect_dma semaphore(%arg11 : memref<!tpu.dma_semaphore, #tpu.memory_space<semaphore_mem>>) src(%dma_wait3A_39 : memref<10240x128xf32, #tpu.memory_space<hbm>>) dst(%arg8 : memref<128x128xf32, #tpu.memory_space<vmem>>)
      %dma_start3A_40 = arith.constant 0 : i32
      %dma_start3A_41 = tpu.memref_slice %arg6[%add3A_34, %dma_start3A_40] : memref<160x128xi32, #tpu.memory_space<vmem>> -> memref<1x128xi32, #tpu.memory_space<vmem>>
      %dma_start3A_42 = tpu.memref_squeeze %dma_start3A_41 : memref<1x128xi32, #tpu.memory_space<vmem>> -> memref<128xi32, #tpu.memory_space<vmem>>
      %dma_start3A_43 = arith.constant 0 : i32
      %dma_start3A_44 = arith.constant 0 : i32
      %dma_start3A_45 = tpu.memref_slice %arg2[%dma_start3A_43, %dma_start3A_44] : memref<10240x128xf32, #tpu.memory_space<hbm>> -> memref<10240x128xf32, #tpu.memory_space<hbm>>
      tpu.enqueue_indirect_dma source(%dma_start3A_45 : memref<10240x128xf32, #tpu.memory_space<hbm>>) target(%arg9 : memref<128x128xf32, #tpu.memory_space<vmem>>) offsets(%dma_start3A_42 : memref<128xi32, #tpu.memory_space<vmem>>) semaphore(%arg12 : memref<!tpu.dma_semaphore, #tpu.memory_space<semaphore_mem>>)
      "tpu.region"() ({
        %run_scoped3A = tpu.sem_alloc : memref<!tpu.dma_semaphore, #tpu.memory_space<semaphore_mem>>
        %dma_start3A_54 = arith.constant 0 : i32
        %dma_start3A_55 = tpu.memref_slice %arg7[%mul3A_32, %dma_start3A_54] : memref<160x128xi32, #tpu.memory_space<vmem>> -> memref<1x128xi32, #tpu.memory_space<vmem>>
        %dma_start3A_56 = tpu.memref_squeeze %dma_start3A_55 : memref<1x128xi32, #tpu.memory_space<vmem>> -> memref<128xi32, #tpu.memory_space<vmem>>
        %dma_start3A_57 = arith.constant 0 : i32
        %dma_start3A_58 = arith.constant 0 : i32
        %dma_start3A_59 = tpu.memref_slice %arg10[%dma_start3A_57, %dma_start3A_58] : memref<5128x128xf32, #tpu.memory_space<vmem_shared>> -> memref<5128x128xf32, #tpu.memory_space<vmem_shared>>
        tpu.enqueue_indirect_dma source(%arg8 : memref<128x128xf32, #tpu.memory_space<vmem>>) target(%dma_start3A_59 : memref<5128x128xf32, #tpu.memory_space<vmem_shared>>) offsets(%dma_start3A_56 : memref<128xi32, #tpu.memory_space<vmem>>) semaphore(%run_scoped3A : memref<!tpu.dma_semaphore, #tpu.memory_space<semaphore_mem>>) {add = true}
        %dma_wait3A_60 = arith.constant 0 : i32
        %dma_wait3A_61 = tpu.memref_slice %arg7[%mul3A_32, %dma_wait3A_60] : memref<160x128xi32, #tpu.memory_space<vmem>> -> memref<1x128xi32, #tpu.memory_space<vmem>>
        %dma_wait3A_62 = tpu.memref_squeeze %dma_wait3A_61 : memref<1x128xi32, #tpu.memory_space<vmem>> -> memref<128xi32, #tpu.memory_space<vmem>>
        %dma_wait3A_63 = arith.constant 0 : i32
        %dma_wait3A_64 = arith.constant 0 : i32
        %dma_wait3A_65 = tpu.memref_slice %arg10[%dma_wait3A_63, %dma_wait3A_64] : memref<5128x128xf32, #tpu.memory_space<vmem_shared>> -> memref<5128x128xf32, #tpu.memory_space<vmem_shared>>
        tpu.wait_indirect_dma semaphore(%run_scoped3A : memref<!tpu.dma_semaphore, #tpu.memory_space<semaphore_mem>>) src(%arg8 : memref<128x128xf32, #tpu.memory_space<vmem>>) dst(%dma_wait3A_65 : memref<5128x128xf32, #tpu.memory_space<vmem_shared>>)
        tpu.yield
      }) : () -> ()
      %dma_wait3A_46 = arith.constant 0 : i32
      %dma_wait3A_47 = tpu.memref_slice %arg6[%add3A_34, %dma_wait3A_46] : memref<160x128xi32, #tpu.memory_space<vmem>> -> memref<1x128xi32, #tpu.memory_space<vmem>>
      %dma_wait3A_48 = tpu.memref_squeeze %dma_wait3A_47 : memref<1x128xi32, #tpu.memory_space<vmem>> -> memref<128xi32, #tpu.memory_space<vmem>>
      %dma_wait3A_49 = arith.constant 0 : i32
      %dma_wait3A_50 = arith.constant 0 : i32
      %dma_wait3A_51 = tpu.memref_slice %arg2[%dma_wait3A_49, %dma_wait3A_50] : memref<10240x128xf32, #tpu.memory_space<hbm>> -> memref<10240x128xf32, #tpu.memory_space<hbm>>
      tpu.wait_indirect_dma semaphore(%arg12 : memref<!tpu.dma_semaphore, #tpu.memory_space<semaphore_mem>>) src(%dma_wait3A_51 : memref<10240x128xf32, #tpu.memory_space<hbm>>) dst(%arg9 : memref<128x128xf32, #tpu.memory_space<vmem>>)
      %lt3A = arith.constant 79 : i32
      %lt3A_52 = arith.cmpi slt, %scan3A_30, %lt3A : i32
      %convert_element_type3A = arith.extui %lt3A_52 : i1 to i32
      %cond3A = arith.constant 0 : i32
      %cond3A_53 = arith.cmpi ne, %convert_element_type3A, %cond3A : i32
      scf.if %cond3A_53 {
        %add3A_54 = arith.constant 2 : i32
        %add3A_55 = arith.addi %mul3A_32, %add3A_54 : i32
        %dma_start3A_56 = arith.constant 0 : i32
        %dma_start3A_57 = tpu.memref_slice %arg6[%add3A_55, %dma_start3A_56] : memref<160x128xi32, #tpu.memory_space<vmem>> -> memref<1x128xi32, #tpu.memory_space<vmem>>
        %dma_start3A_58 = tpu.memref_squeeze %dma_start3A_57 : memref<1x128xi32, #tpu.memory_space<vmem>> -> memref<128xi32, #tpu.memory_space<vmem>>
        %dma_start3A_59 = arith.constant 0 : i32
        %dma_start3A_60 = arith.constant 0 : i32
        %dma_start3A_61 = tpu.memref_slice %arg2[%dma_start3A_59, %dma_start3A_60] : memref<10240x128xf32, #tpu.memory_space<hbm>> -> memref<10240x128xf32, #tpu.memory_space<hbm>>
        tpu.enqueue_indirect_dma source(%dma_start3A_61 : memref<10240x128xf32, #tpu.memory_space<hbm>>) target(%arg8 : memref<128x128xf32, #tpu.memory_space<vmem>>) offsets(%dma_start3A_58 : memref<128xi32, #tpu.memory_space<vmem>>) semaphore(%arg11 : memref<!tpu.dma_semaphore, #tpu.memory_space<semaphore_mem>>)
      } else {
      }
      "tpu.region"() ({
        %run_scoped3A = tpu.sem_alloc : memref<!tpu.dma_semaphore, #tpu.memory_space<semaphore_mem>>
        %dma_start3A_54 = arith.constant 0 : i32
        %dma_start3A_55 = tpu.memref_slice %arg7[%add3A_34, %dma_start3A_54] : memref<160x128xi32, #tpu.memory_space<vmem>> -> memref<1x128xi32, #tpu.memory_space<vmem>>
        %dma_start3A_56 = tpu.memref_squeeze %dma_start3A_55 : memref<1x128xi32, #tpu.memory_space<vmem>> -> memref<128xi32, #tpu.memory_space<vmem>>
        %dma_start3A_57 = arith.constant 0 : i32
        %dma_start3A_58 = arith.constant 0 : i32
        %dma_start3A_59 = tpu.memref_slice %arg10[%dma_start3A_57, %dma_start3A_58] : memref<5128x128xf32, #tpu.memory_space<vmem_shared>> -> memref<5128x128xf32, #tpu.memory_space<vmem_shared>>
        tpu.enqueue_indirect_dma source(%arg9 : memref<128x128xf32, #tpu.memory_space<vmem>>) target(%dma_start3A_59 : memref<5128x128xf32, #tpu.memory_space<vmem_shared>>) offsets(%dma_start3A_56 : memref<128xi32, #tpu.memory_space<vmem>>) semaphore(%run_scoped3A : memref<!tpu.dma_semaphore, #tpu.memory_space<semaphore_mem>>) {add = true}
        %dma_wait3A_60 = arith.constant 0 : i32
        %dma_wait3A_61 = tpu.memref_slice %arg7[%add3A_34, %dma_wait3A_60] : memref<160x128xi32, #tpu.memory_space<vmem>> -> memref<1x128xi32, #tpu.memory_space<vmem>>
        %dma_wait3A_62 = tpu.memref_squeeze %dma_wait3A_61 : memref<1x128xi32, #tpu.memory_space<vmem>> -> memref<128xi32, #tpu.memory_space<vmem>>
        %dma_wait3A_63 = arith.constant 0 : i32
        %dma_wait3A_64 = arith.constant 0 : i32
        %dma_wait3A_65 = tpu.memref_slice %arg10[%dma_wait3A_63, %dma_wait3A_64] : memref<5128x128xf32, #tpu.memory_space<vmem_shared>> -> memref<5128x128xf32, #tpu.memory_space<vmem_shared>>
        tpu.wait_indirect_dma semaphore(%run_scoped3A : memref<!tpu.dma_semaphore, #tpu.memory_space<semaphore_mem>>) src(%arg9 : memref<128x128xf32, #tpu.memory_space<vmem>>) dst(%dma_wait3A_65 : memref<5128x128xf32, #tpu.memory_space<vmem_shared>>)
        tpu.yield
      }) : () -> ()
    }
    %scan3A_26 = arith.constant 80 : i32
    %barrier3A_27 = arith.constant 0 : index
    tpu.barrier barrier_id(%barrier3A_27)
    %mul3A_28 = arith.constant 320 : i32
    %mul3A_29 = arith.muli %arg1, %mul3A_28 : i32
    "tpu.region"() ({
      %run_scoped3A = tpu.sem_alloc : memref<!tpu.dma_semaphore, #tpu.memory_space<semaphore_mem>>
      %dma_start3A_30 = arith.constant 0 : i32
      %dma_start3A_31 = arith.constant 0 : i32
      %dma_start3A_32 = tpu.memref_slice %arg5[%arg0, %arg1, %dma_start3A_30, %dma_start3A_31] : memref<2x16x320x128xf32, #tpu.memory_space<hbm>> -> memref<1x1x320x128xf32, #tpu.memory_space<hbm>>
      %dma_start3A_33 = tpu.memref_squeeze %dma_start3A_32 : memref<1x1x320x128xf32, #tpu.memory_space<hbm>> -> memref<320x128xf32, #tpu.memory_space<hbm>>
      %dma_start3A_34 = arith.constant 0 : i32
      %dma_start3A_35 = tpu.memref_slice %arg10[%mul3A_29, %dma_start3A_34] : memref<5128x128xf32, #tpu.memory_space<vmem_shared>> -> memref<320x128xf32, #tpu.memory_space<vmem_shared>>
      tpu.enqueue_dma source(%dma_start3A_35 : memref<320x128xf32, #tpu.memory_space<vmem_shared>>) target(%dma_start3A_33 : memref<320x128xf32, #tpu.memory_space<hbm>>) target_semaphore(%run_scoped3A : memref<!tpu.dma_semaphore, #tpu.memory_space<semaphore_mem>>)
      %dma_wait3A = arith.constant 0 : i32
      %dma_wait3A_36 = arith.constant 0 : i32
      %dma_wait3A_37 = tpu.memref_slice %arg5[%arg0, %arg1, %dma_wait3A, %dma_wait3A_36] : memref<2x16x320x128xf32, #tpu.memory_space<hbm>> -> memref<1x1x320x128xf32, #tpu.memory_space<hbm>>
      %dma_wait3A_38 = tpu.memref_squeeze %dma_wait3A_37 : memref<1x1x320x128xf32, #tpu.memory_space<hbm>> -> memref<320x128xf32, #tpu.memory_space<hbm>>
      %dma_wait3A_39 = arith.constant 0 : i32
      %dma_wait3A_40 = tpu.memref_slice %arg10[%mul3A_29, %dma_wait3A_39] : memref<5128x128xf32, #tpu.memory_space<vmem_shared>> -> memref<320x128xf32, #tpu.memory_space<vmem_shared>>
      tpu.wait_dma2 semaphore(%run_scoped3A : memref<!tpu.dma_semaphore, #tpu.memory_space<semaphore_mem>>) src(%dma_wait3A_40 : memref<320x128xf32, #tpu.memory_space<vmem_shared>>) dst(%dma_wait3A_38 : memref<320x128xf32, #tpu.memory_space<hbm>>)
      tpu.yield
    }) : () -> ()
    return
  }
}

#map = affine_map<(d0, d1) -> (0, 0)>
#map1 = affine_map<(d0, d1) -> (0, 0, 0)>
#map2 = affine_map<(d0, d1) -> (0, 0, 0, 0)>
module attributes {stable_mosaic.version = 14 : i64} {
  func.func @_agg_body(%arg0: i32, %arg1: i32, %arg2: memref<10240x128xf32, #tpu.memory_space<hbm>>, %arg3: memref<16x160x128xi32, #tpu.memory_space<hbm>>, %arg4: memref<2x16x160x128xi32, #tpu.memory_space<hbm>>, %arg5: memref<2x16x320x128xf32, #tpu.memory_space<hbm>>, %arg6: memref<160x128xi32, #tpu.memory_space<vmem>>, %arg7: memref<160x128xi32, #tpu.memory_space<vmem>>, %arg8: memref<128x128xf32, #tpu.memory_space<vmem>>, %arg9: memref<128x128xf32, #tpu.memory_space<vmem>>, %arg10: memref<5128x128xf32, #tpu.memory_space<vmem_shared>>, %arg11: memref<!tpu.dma_semaphore, #tpu.memory_space<semaphore_mem>>, %arg12: memref<!tpu.dma_semaphore, #tpu.memory_space<semaphore_mem>>) attributes {dimension_semantics = [#tpu.dimension_semantics<core_parallel>, #tpu.dimension_semantics<subcore_parallel>], iteration_bounds = array<i64: 2, 16>, scalar_prefetch = 0 : i64, scratch_operands = 7 : i64, tpu.core_type = #tpu.core_type<sc_vector_subcore>, window_params = [{transform_indices = #map}, {transform_indices = #map1}, {transform_indices = #map2}, {transform_indices = #map2}]} {
    %scan3A = arith.constant 0 : i32
    %scan3A_0 = arith.constant 0 : i32
    %scan3A_1 = arith.constant 1024 : i32
    %scan3A_2 = arith.addi %scan3A_0, %scan3A_1 : i32
    %scan3A_3 = arith.constant 1 : i32
    scf.for %scan3A_30 = %scan3A_0 to %scan3A_2 step %scan3A_3  : i32 {
      %broadcast_in_dim3A = arith.constant 0.000000e+00 : f32
      %broadcast_in_dim3A_31 = vector.broadcast %broadcast_in_dim3A : f32 to vector<16xf32>
      %jit3A = arith.constant 8 : i32
      %div3A = arith.divsi %scan3A_30, %jit3A : i32
      %sign3A = arith.constant 0 : i32
      %sign3A_32 = arith.cmpi sgt, %scan3A_30, %sign3A : i32
      %sign3A_33 = arith.extui %sign3A_32 : i1 to i32
      %sign3A_34 = arith.constant 0 : i32
      %sign3A_35 = arith.cmpi slt, %scan3A_30, %sign3A_34 : i32
      %sign3A_36 = arith.extui %sign3A_35 : i1 to i32
      %sign3A_37 = arith.subi %sign3A_33, %sign3A_36 : i32
      %sign3A_38 = arith.constant 0 : i32
      %sign3A_39 = arith.cmpi sgt, %jit3A, %sign3A_38 : i32
      %sign3A_40 = arith.extui %sign3A_39 : i1 to i32
      %sign3A_41 = arith.constant 0 : i32
      %sign3A_42 = arith.cmpi slt, %jit3A, %sign3A_41 : i32
      %sign3A_43 = arith.extui %sign3A_42 : i1 to i32
      %sign3A_44 = arith.subi %sign3A_40, %sign3A_43 : i32
      %ne3A = arith.cmpi ne, %sign3A_37, %sign3A_44 : i32
      %rem3A = arith.remsi %scan3A_30, %jit3A : i32
      %ne3A_45 = arith.constant 0 : i32
      %ne3A_46 = arith.cmpi ne, %rem3A, %ne3A_45 : i32
      %and3A = arith.andi %ne3A, %ne3A_46 : i1
      %sub3A = arith.constant 1 : i32
      %sub3A_47 = arith.subi %div3A, %sub3A : i32
      %select_n3A = arith.select %and3A, %sub3A_47, %div3A : i32
      %jit3A_48 = arith.constant 8 : i32
      %eq3A = arith.constant 0 : i32
      %eq3A_49 = arith.cmpi eq, %jit3A_48, %eq3A : i32
      %jit3A_50 = arith.constant 1 : i32
      %select_n3A_51 = arith.select %eq3A_49, %jit3A_50, %jit3A_48 : i32
      %rem3A_52 = arith.remsi %scan3A_30, %select_n3A_51 : i32
      %ne3A_53 = arith.constant 0 : i32
      %ne3A_54 = arith.cmpi ne, %rem3A_52, %ne3A_53 : i32
      %lt3A = arith.constant 0 : i32
      %lt3A_55 = arith.cmpi slt, %rem3A_52, %lt3A : i32
      %lt3A_56 = arith.constant 0 : i32
      %lt3A_57 = arith.cmpi slt, %select_n3A_51, %lt3A_56 : i32
      %ne3A_58 = arith.xori %lt3A_55, %lt3A_57 : i1
      %and3A_59 = arith.andi %ne3A_58, %ne3A_54 : i1
      %add3A_60 = arith.addi %rem3A_52, %select_n3A_51 : i32
      %select_n3A_61 = arith.select %and3A_59, %add3A_60, %rem3A_52 : i32
      %mul3A_62 = arith.constant 16 : i32
      %mul3A_63 = arith.muli %select_n3A_61, %mul3A_62 : i32
      %swap3A = arith.index_cast %select_n3A : i32 to index
      %swap3A_64 = arith.index_cast %mul3A_63 : i32 to index
      %swap3A_65 = tpu.vector_load %arg8[%swap3A, %swap3A_64] {strides = array<i32>} : memref<128x128xf32, #tpu.memory_space<vmem>>, vector<1x16xf32>,
      %swap3A_66 = vector.shape_cast %swap3A_65 : vector<1x16xf32> to vector<16xf32>
      %swap3A_67 = vector.shape_cast %broadcast_in_dim3A_31 : vector<16xf32> to vector<1x16xf32>
      tpu.vector_store %arg8[%swap3A, %swap3A_64], %swap3A_67 {strides = array<i32>} : memref<128x128xf32, #tpu.memory_space<vmem>>, vector<1x16xf32>,
    }
    %scan3A_4 = arith.constant 1024 : i32
    %mul3A = arith.constant 320 : i32
    %mul3A_5 = arith.muli %arg1, %mul3A : i32
    %add3A = arith.constant 0 : i32
    %add3A_6 = arith.addi %mul3A_5, %add3A : i32
    "tpu.region"() ({
      %run_scoped3A = tpu.sem_alloc : memref<!tpu.dma_semaphore, #tpu.memory_space<semaphore_mem>>
      %dma_start3A_30 = arith.constant 0 : i32
      %dma_start3A_31 = tpu.memref_slice %arg10[%add3A_6, %dma_start3A_30] : memref<5128x128xf32, #tpu.memory_space<vmem_shared>> -> memref<128x128xf32, #tpu.memory_space<vmem_shared>>
      %dma_start3A_32 = arith.constant 0 : i32
      %dma_start3A_33 = tpu.memref_slice %arg10[%add3A_6, %dma_start3A_32] : memref<5128x128xf32, #tpu.memory_space<vmem_shared>> -> memref<128x128xf32, #tpu.memory_space<vmem_shared>>
      tpu.enqueue_dma source(%arg8 : memref<128x128xf32, #tpu.memory_space<vmem>>) target(%dma_start3A_33 : memref<128x128xf32, #tpu.memory_space<vmem_shared>>) target_semaphore(%run_scoped3A : memref<!tpu.dma_semaphore, #tpu.memory_space<semaphore_mem>>)
      %dma_wait3A = arith.constant 0 : i32
      %dma_wait3A_34 = tpu.memref_slice %arg10[%add3A_6, %dma_wait3A] : memref<5128x128xf32, #tpu.memory_space<vmem_shared>> -> memref<128x128xf32, #tpu.memory_space<vmem_shared>>
      %dma_wait3A_35 = arith.constant 0 : i32
      %dma_wait3A_36 = tpu.memref_slice %arg10[%add3A_6, %dma_wait3A_35] : memref<5128x128xf32, #tpu.memory_space<vmem_shared>> -> memref<128x128xf32, #tpu.memory_space<vmem_shared>>
      tpu.wait_dma2 semaphore(%run_scoped3A : memref<!tpu.dma_semaphore, #tpu.memory_space<semaphore_mem>>) src(%arg8 : memref<128x128xf32, #tpu.memory_space<vmem>>) dst(%dma_wait3A_36 : memref<128x128xf32, #tpu.memory_space<vmem_shared>>)
      tpu.yield
    }) : () -> ()
    %mul3A_7 = arith.constant 320 : i32
    %mul3A_8 = arith.muli %arg1, %mul3A_7 : i32
    %add3A_9 = arith.constant 128 : i32
    %add3A_10 = arith.addi %mul3A_8, %add3A_9 : i32
    "tpu.region"() ({
      %run_scoped3A = tpu.sem_alloc : memref<!tpu.dma_semaphore, #tpu.memory_space<semaphore_mem>>
      %dma_start3A_30 = arith.constant 0 : i32
      %dma_start3A_31 = tpu.memref_slice %arg10[%add3A_10, %dma_start3A_30] : memref<5128x128xf32, #tpu.memory_space<vmem_shared>> -> memref<128x128xf32, #tpu.memory_space<vmem_shared>>
      %dma_start3A_32 = arith.constant 0 : i32
      %dma_start3A_33 = tpu.memref_slice %arg10[%add3A_10, %dma_start3A_32] : memref<5128x128xf32, #tpu.memory_space<vmem_shared>> -> memref<128x128xf32, #tpu.memory_space<vmem_shared>>
      tpu.enqueue_dma source(%arg8 : memref<128x128xf32, #tpu.memory_space<vmem>>) target(%dma_start3A_33 : memref<128x128xf32, #tpu.memory_space<vmem_shared>>) target_semaphore(%run_scoped3A : memref<!tpu.dma_semaphore, #tpu.memory_space<semaphore_mem>>)
      %dma_wait3A = arith.constant 0 : i32
      %dma_wait3A_34 = tpu.memref_slice %arg10[%add3A_10, %dma_wait3A] : memref<5128x128xf32, #tpu.memory_space<vmem_shared>> -> memref<128x128xf32, #tpu.memory_space<vmem_shared>>
      %dma_wait3A_35 = arith.constant 0 : i32
      %dma_wait3A_36 = tpu.memref_slice %arg10[%add3A_10, %dma_wait3A_35] : memref<5128x128xf32, #tpu.memory_space<vmem_shared>> -> memref<128x128xf32, #tpu.memory_space<vmem_shared>>
      tpu.wait_dma2 semaphore(%run_scoped3A : memref<!tpu.dma_semaphore, #tpu.memory_space<semaphore_mem>>) src(%arg8 : memref<128x128xf32, #tpu.memory_space<vmem>>) dst(%dma_wait3A_36 : memref<128x128xf32, #tpu.memory_space<vmem_shared>>)
      tpu.yield
    }) : () -> ()
    %mul3A_11 = arith.constant 320 : i32
    %mul3A_12 = arith.muli %arg1, %mul3A_11 : i32
    %add3A_13 = arith.constant 256 : i32
    %add3A_14 = arith.addi %mul3A_12, %add3A_13 : i32
    "tpu.region"() ({
      %run_scoped3A = tpu.sem_alloc : memref<!tpu.dma_semaphore, #tpu.memory_space<semaphore_mem>>
      %dma_start3A_30 = arith.constant 0 : i32
      %dma_start3A_31 = arith.constant 0 : i32
      %dma_start3A_32 = tpu.memref_slice %arg8[%dma_start3A_30, %dma_start3A_31] : memref<128x128xf32, #tpu.memory_space<vmem>> -> memref<64x128xf32, #tpu.memory_space<vmem>>
      %dma_start3A_33 = arith.constant 0 : i32
      %dma_start3A_34 = tpu.memref_slice %arg10[%add3A_14, %dma_start3A_33] : memref<5128x128xf32, #tpu.memory_space<vmem_shared>> -> memref<64x128xf32, #tpu.memory_space<vmem_shared>>
      %dma_start3A_35 = arith.constant 0 : i32
      %dma_start3A_36 = tpu.memref_slice %arg10[%add3A_14, %dma_start3A_35] : memref<5128x128xf32, #tpu.memory_space<vmem_shared>> -> memref<64x128xf32, #tpu.memory_space<vmem_shared>>
      %dma_start3A_37 = arith.constant 0 : i32
      %dma_start3A_38 = arith.constant 0 : i32
      %dma_start3A_39 = tpu.memref_slice %arg8[%dma_start3A_37, %dma_start3A_38] : memref<128x128xf32, #tpu.memory_space<vmem>> -> memref<64x128xf32, #tpu.memory_space<vmem>>
      tpu.enqueue_dma source(%dma_start3A_39 : memref<64x128xf32, #tpu.memory_space<vmem>>) target(%dma_start3A_36 : memref<64x128xf32, #tpu.memory_space<vmem_shared>>) target_semaphore(%run_scoped3A : memref<!tpu.dma_semaphore, #tpu.memory_space<semaphore_mem>>)
      %dma_wait3A = arith.constant 0 : i32
      %dma_wait3A_40 = arith.constant 0 : i32
      %dma_wait3A_41 = tpu.memref_slice %arg8[%dma_wait3A, %dma_wait3A_40] : memref<128x128xf32, #tpu.memory_space<vmem>> -> memref<64x128xf32, #tpu.memory_space<vmem>>
      %dma_wait3A_42 = arith.constant 0 : i32
      %dma_wait3A_43 = tpu.memref_slice %arg10[%add3A_14, %dma_wait3A_42] : memref<5128x128xf32, #tpu.memory_space<vmem_shared>> -> memref<64x128xf32, #tpu.memory_space<vmem_shared>>
      %dma_wait3A_44 = arith.constant 0 : i32
      %dma_wait3A_45 = tpu.memref_slice %arg10[%add3A_14, %dma_wait3A_44] : memref<5128x128xf32, #tpu.memory_space<vmem_shared>> -> memref<64x128xf32, #tpu.memory_space<vmem_shared>>
      %dma_wait3A_46 = arith.constant 0 : i32
      %dma_wait3A_47 = arith.constant 0 : i32
      %dma_wait3A_48 = tpu.memref_slice %arg8[%dma_wait3A_46, %dma_wait3A_47] : memref<128x128xf32, #tpu.memory_space<vmem>> -> memref<64x128xf32, #tpu.memory_space<vmem>>
      tpu.wait_dma2 semaphore(%run_scoped3A : memref<!tpu.dma_semaphore, #tpu.memory_space<semaphore_mem>>) src(%dma_wait3A_48 : memref<64x128xf32, #tpu.memory_space<vmem>>) dst(%dma_wait3A_45 : memref<64x128xf32, #tpu.memory_space<vmem_shared>>)
      tpu.yield
    }) : () -> ()
    %barrier3A = arith.constant 0 : index
    tpu.barrier barrier_id(%barrier3A)
    "tpu.region"() ({
      %run_scoped3A = tpu.sem_alloc : memref<!tpu.dma_semaphore, #tpu.memory_space<semaphore_mem>>
      %dma_start3A_30 = arith.constant 0 : i32
      %dma_start3A_31 = arith.constant 0 : i32
      %dma_start3A_32 = tpu.memref_slice %arg3[%arg1, %dma_start3A_30, %dma_start3A_31] : memref<16x160x128xi32, #tpu.memory_space<hbm>> -> memref<1x160x128xi32, #tpu.memory_space<hbm>>
      %dma_start3A_33 = tpu.memref_squeeze %dma_start3A_32 : memref<1x160x128xi32, #tpu.memory_space<hbm>> -> memref<160x128xi32, #tpu.memory_space<hbm>>
      %dma_start3A_34 = arith.constant 0 : i32
      %dma_start3A_35 = arith.constant 0 : i32
      %dma_start3A_36 = tpu.memref_slice %arg3[%arg1, %dma_start3A_34, %dma_start3A_35] : memref<16x160x128xi32, #tpu.memory_space<hbm>> -> memref<1x160x128xi32, #tpu.memory_space<hbm>>
      %dma_start3A_37 = tpu.memref_squeeze %dma_start3A_36 : memref<1x160x128xi32, #tpu.memory_space<hbm>> -> memref<160x128xi32, #tpu.memory_space<hbm>>
      tpu.enqueue_dma source(%dma_start3A_37 : memref<160x128xi32, #tpu.memory_space<hbm>>) target(%arg6 : memref<160x128xi32, #tpu.memory_space<vmem>>) target_semaphore(%run_scoped3A : memref<!tpu.dma_semaphore, #tpu.memory_space<semaphore_mem>>)
      %dma_wait3A = arith.constant 0 : i32
      %dma_wait3A_38 = arith.constant 0 : i32
      %dma_wait3A_39 = tpu.memref_slice %arg3[%arg1, %dma_wait3A, %dma_wait3A_38] : memref<16x160x128xi32, #tpu.memory_space<hbm>> -> memref<1x160x128xi32, #tpu.memory_space<hbm>>
      %dma_wait3A_40 = tpu.memref_squeeze %dma_wait3A_39 : memref<1x160x128xi32, #tpu.memory_space<hbm>> -> memref<160x128xi32, #tpu.memory_space<hbm>>
      %dma_wait3A_41 = arith.constant 0 : i32
      %dma_wait3A_42 = arith.constant 0 : i32
      %dma_wait3A_43 = tpu.memref_slice %arg3[%arg1, %dma_wait3A_41, %dma_wait3A_42] : memref<16x160x128xi32, #tpu.memory_space<hbm>> -> memref<1x160x128xi32, #tpu.memory_space<hbm>>
      %dma_wait3A_44 = tpu.memref_squeeze %dma_wait3A_43 : memref<1x160x128xi32, #tpu.memory_space<hbm>> -> memref<160x128xi32, #tpu.memory_space<hbm>>
      tpu.wait_dma2 semaphore(%run_scoped3A : memref<!tpu.dma_semaphore, #tpu.memory_space<semaphore_mem>>) src(%dma_wait3A_44 : memref<160x128xi32, #tpu.memory_space<hbm>>) dst(%arg6 : memref<160x128xi32, #tpu.memory_space<vmem>>)
      tpu.yield
    }) : () -> ()
    "tpu.region"() ({
      %run_scoped3A = tpu.sem_alloc : memref<!tpu.dma_semaphore, #tpu.memory_space<semaphore_mem>>
      %dma_start3A_30 = arith.constant 0 : i32
      %dma_start3A_31 = arith.constant 0 : i32
      %dma_start3A_32 = tpu.memref_slice %arg4[%arg0, %arg1, %dma_start3A_30, %dma_start3A_31] : memref<2x16x160x128xi32, #tpu.memory_space<hbm>> -> memref<1x1x160x128xi32, #tpu.memory_space<hbm>>
      %dma_start3A_33 = tpu.memref_squeeze %dma_start3A_32 : memref<1x1x160x128xi32, #tpu.memory_space<hbm>> -> memref<160x128xi32, #tpu.memory_space<hbm>>
      %dma_start3A_34 = arith.constant 0 : i32
      %dma_start3A_35 = arith.constant 0 : i32
      %dma_start3A_36 = tpu.memref_slice %arg4[%arg0, %arg1, %dma_start3A_34, %dma_start3A_35] : memref<2x16x160x128xi32, #tpu.memory_space<hbm>> -> memref<1x1x160x128xi32, #tpu.memory_space<hbm>>
      %dma_start3A_37 = tpu.memref_squeeze %dma_start3A_36 : memref<1x1x160x128xi32, #tpu.memory_space<hbm>> -> memref<160x128xi32, #tpu.memory_space<hbm>>
      tpu.enqueue_dma source(%dma_start3A_37 : memref<160x128xi32, #tpu.memory_space<hbm>>) target(%arg7 : memref<160x128xi32, #tpu.memory_space<vmem>>) target_semaphore(%run_scoped3A : memref<!tpu.dma_semaphore, #tpu.memory_space<semaphore_mem>>)
      %dma_wait3A = arith.constant 0 : i32
      %dma_wait3A_38 = arith.constant 0 : i32
      %dma_wait3A_39 = tpu.memref_slice %arg4[%arg0, %arg1, %dma_wait3A, %dma_wait3A_38] : memref<2x16x160x128xi32, #tpu.memory_space<hbm>> -> memref<1x1x160x128xi32, #tpu.memory_space<hbm>>
      %dma_wait3A_40 = tpu.memref_squeeze %dma_wait3A_39 : memref<1x1x160x128xi32, #tpu.memory_space<hbm>> -> memref<160x128xi32, #tpu.memory_space<hbm>>
      %dma_wait3A_41 = arith.constant 0 : i32
      %dma_wait3A_42 = arith.constant 0 : i32
      %dma_wait3A_43 = tpu.memref_slice %arg4[%arg0, %arg1, %dma_wait3A_41, %dma_wait3A_42] : memref<2x16x160x128xi32, #tpu.memory_space<hbm>> -> memref<1x1x160x128xi32, #tpu.memory_space<hbm>>
      %dma_wait3A_44 = tpu.memref_squeeze %dma_wait3A_43 : memref<1x1x160x128xi32, #tpu.memory_space<hbm>> -> memref<160x128xi32, #tpu.memory_space<hbm>>
      tpu.wait_dma2 semaphore(%run_scoped3A : memref<!tpu.dma_semaphore, #tpu.memory_space<semaphore_mem>>) src(%dma_wait3A_44 : memref<160x128xi32, #tpu.memory_space<hbm>>) dst(%arg7 : memref<160x128xi32, #tpu.memory_space<vmem>>)
      tpu.yield
    }) : () -> ()
    %dma_start3A = arith.constant 0 : i32
    %dma_start3A_15 = arith.constant 0 : i32
    %dma_start3A_16 = tpu.memref_slice %arg6[%dma_start3A, %dma_start3A_15] : memref<160x128xi32, #tpu.memory_space<vmem>> -> memref<1x128xi32, #tpu.memory_space<vmem>>
    %dma_start3A_17 = tpu.memref_squeeze %dma_start3A_16 : memref<1x128xi32, #tpu.memory_space<vmem>> -> memref<128xi32, #tpu.memory_space<vmem>>
    %dma_start3A_18 = arith.constant 0 : i32
    %dma_start3A_19 = arith.constant 0 : i32
    %dma_start3A_20 = tpu.memref_slice %arg2[%dma_start3A_18, %dma_start3A_19] : memref<10240x128xf32, #tpu.memory_space<hbm>> -> memref<10240x128xf32, #tpu.memory_space<hbm>>
    tpu.enqueue_indirect_dma source(%dma_start3A_20 : memref<10240x128xf32, #tpu.memory_space<hbm>>) target(%arg8 : memref<128x128xf32, #tpu.memory_space<vmem>>) offsets(%dma_start3A_17 : memref<128xi32, #tpu.memory_space<vmem>>) semaphore(%arg11 : memref<!tpu.dma_semaphore, #tpu.memory_space<semaphore_mem>>)
    %scan3A_21 = arith.constant 0 : i32
    %scan3A_22 = arith.constant 0 : i32
    %scan3A_23 = arith.constant 80 : i32
    %scan3A_24 = arith.addi %scan3A_22, %scan3A_23 : i32
    %scan3A_25 = arith.constant 1 : i32
    scf.for %scan3A_30 = %scan3A_22 to %scan3A_24 step %scan3A_25  : i32 {
      %mul3A_31 = arith.constant 2 : i32
      %mul3A_32 = arith.muli %mul3A_31, %scan3A_30 : i32
      %add3A_33 = arith.constant 1 : i32
      %add3A_34 = arith.addi %mul3A_32, %add3A_33 : i32
      %dma_wait3A = arith.constant 0 : i32
      %dma_wait3A_35 = tpu.memref_slice %arg6[%mul3A_32, %dma_wait3A] : memref<160x128xi32, #tpu.memory_space<vmem>> -> memref<1x128xi32, #tpu.memory_space<vmem>>
      %dma_wait3A_36 = tpu.memref_squeeze %dma_wait3A_35 : memref<1x128xi32, #tpu.memory_space<vmem>> -> memref<128xi32, #tpu.memory_space<vmem>>
      %dma_wait3A_37 = arith.constant 0 : i32
      %dma_wait3A_38 = arith.constant 0 : i32
      %dma_wait3A_39 = tpu.memref_slice %arg2[%dma_wait3A_37, %dma_wait3A_38] : memref<10240x128xf32, #tpu.memory_space<hbm>> -> memref<10240x128xf32, #tpu.memory_space<hbm>>
      tpu.wait_indirect_dma semaphore(%arg11 : memref<!tpu.dma_semaphore, #tpu.memory_space<semaphore_mem>>) src(%dma_wait3A_39 : memref<10240x128xf32, #tpu.memory_space<hbm>>) dst(%arg8 : memref<128x128xf32, #tpu.memory_space<vmem>>)
      %dma_start3A_40 = arith.constant 0 : i32
      %dma_start3A_41 = tpu.memref_slice %arg6[%add3A_34, %dma_start3A_40] : memref<160x128xi32, #tpu.memory_space<vmem>> -> memref<1x128xi32, #tpu.memory_space<vmem>>
      %dma_start3A_42 = tpu.memref_squeeze %dma_start3A_41 : memref<1x128xi32, #tpu.memory_space<vmem>> -> memref<128xi32, #tpu.memory_space<vmem>>
      %dma_start3A_43 = arith.constant 0 : i32
      %dma_start3A_44 = arith.constant 0 : i32
      %dma_start3A_45 = tpu.memref_slice %arg2[%dma_start3A_43, %dma_start3A_44] : memref<10240x128xf32, #tpu.memory_space<hbm>> -> memref<10240x128xf32, #tpu.memory_space<hbm>>
      tpu.enqueue_indirect_dma source(%dma_start3A_45 : memref<10240x128xf32, #tpu.memory_space<hbm>>) target(%arg9 : memref<128x128xf32, #tpu.memory_space<vmem>>) offsets(%dma_start3A_42 : memref<128xi32, #tpu.memory_space<vmem>>) semaphore(%arg12 : memref<!tpu.dma_semaphore, #tpu.memory_space<semaphore_mem>>)
      "tpu.region"() ({
        %run_scoped3A = tpu.sem_alloc : memref<!tpu.dma_semaphore, #tpu.memory_space<semaphore_mem>>
        %dma_start3A_54 = arith.constant 0 : i32
        %dma_start3A_55 = tpu.memref_slice %arg7[%mul3A_32, %dma_start3A_54] : memref<160x128xi32, #tpu.memory_space<vmem>> -> memref<1x128xi32, #tpu.memory_space<vmem>>
        %dma_start3A_56 = tpu.memref_squeeze %dma_start3A_55 : memref<1x128xi32, #tpu.memory_space<vmem>> -> memref<128xi32, #tpu.memory_space<vmem>>
        %dma_start3A_57 = arith.constant 0 : i32
        %dma_start3A_58 = arith.constant 0 : i32
        %dma_start3A_59 = tpu.memref_slice %arg10[%dma_start3A_57, %dma_start3A_58] : memref<5128x128xf32, #tpu.memory_space<vmem_shared>> -> memref<5128x128xf32, #tpu.memory_space<vmem_shared>>
        tpu.enqueue_indirect_dma source(%arg8 : memref<128x128xf32, #tpu.memory_space<vmem>>) target(%dma_start3A_59 : memref<5128x128xf32, #tpu.memory_space<vmem_shared>>) offsets(%dma_start3A_56 : memref<128xi32, #tpu.memory_space<vmem>>) semaphore(%run_scoped3A : memref<!tpu.dma_semaphore, #tpu.memory_space<semaphore_mem>>) {add = true}
        %dma_wait3A_60 = arith.constant 0 : i32
        %dma_wait3A_61 = tpu.memref_slice %arg7[%mul3A_32, %dma_wait3A_60] : memref<160x128xi32, #tpu.memory_space<vmem>> -> memref<1x128xi32, #tpu.memory_space<vmem>>
        %dma_wait3A_62 = tpu.memref_squeeze %dma_wait3A_61 : memref<1x128xi32, #tpu.memory_space<vmem>> -> memref<128xi32, #tpu.memory_space<vmem>>
        %dma_wait3A_63 = arith.constant 0 : i32
        %dma_wait3A_64 = arith.constant 0 : i32
        %dma_wait3A_65 = tpu.memref_slice %arg10[%dma_wait3A_63, %dma_wait3A_64] : memref<5128x128xf32, #tpu.memory_space<vmem_shared>> -> memref<5128x128xf32, #tpu.memory_space<vmem_shared>>
        tpu.wait_indirect_dma semaphore(%run_scoped3A : memref<!tpu.dma_semaphore, #tpu.memory_space<semaphore_mem>>) src(%arg8 : memref<128x128xf32, #tpu.memory_space<vmem>>) dst(%dma_wait3A_65 : memref<5128x128xf32, #tpu.memory_space<vmem_shared>>)
        tpu.yield
      }) : () -> ()
      %dma_wait3A_46 = arith.constant 0 : i32
      %dma_wait3A_47 = tpu.memref_slice %arg6[%add3A_34, %dma_wait3A_46] : memref<160x128xi32, #tpu.memory_space<vmem>> -> memref<1x128xi32, #tpu.memory_space<vmem>>
      %dma_wait3A_48 = tpu.memref_squeeze %dma_wait3A_47 : memref<1x128xi32, #tpu.memory_space<vmem>> -> memref<128xi32, #tpu.memory_space<vmem>>
      %dma_wait3A_49 = arith.constant 0 : i32
      %dma_wait3A_50 = arith.constant 0 : i32
      %dma_wait3A_51 = tpu.memref_slice %arg2[%dma_wait3A_49, %dma_wait3A_50] : memref<10240x128xf32, #tpu.memory_space<hbm>> -> memref<10240x128xf32, #tpu.memory_space<hbm>>
      tpu.wait_indirect_dma semaphore(%arg12 : memref<!tpu.dma_semaphore, #tpu.memory_space<semaphore_mem>>) src(%dma_wait3A_51 : memref<10240x128xf32, #tpu.memory_space<hbm>>) dst(%arg9 : memref<128x128xf32, #tpu.memory_space<vmem>>)
      %lt3A = arith.constant 79 : i32
      %lt3A_52 = arith.cmpi slt, %scan3A_30, %lt3A : i32
      %convert_element_type3A = arith.extui %lt3A_52 : i1 to i32
      %cond3A = arith.constant 0 : i32
      %cond3A_53 = arith.cmpi ne, %convert_element_type3A, %cond3A : i32
      scf.if %cond3A_53 {
        %add3A_54 = arith.constant 2 : i32
        %add3A_55 = arith.addi %mul3A_32, %add3A_54 : i32
        %dma_start3A_56 = arith.constant 0 : i32
        %dma_start3A_57 = tpu.memref_slice %arg6[%add3A_55, %dma_start3A_56] : memref<160x128xi32, #tpu.memory_space<vmem>> -> memref<1x128xi32, #tpu.memory_space<vmem>>
        %dma_start3A_58 = tpu.memref_squeeze %dma_start3A_57 : memref<1x128xi32, #tpu.memory_space<vmem>> -> memref<128xi32, #tpu.memory_space<vmem>>
        %dma_start3A_59 = arith.constant 0 : i32
        %dma_start3A_60 = arith.constant 0 : i32
        %dma_start3A_61 = tpu.memref_slice %arg2[%dma_start3A_59, %dma_start3A_60] : memref<10240x128xf32, #tpu.memory_space<hbm>> -> memref<10240x128xf32, #tpu.memory_space<hbm>>
        tpu.enqueue_indirect_dma source(%dma_start3A_61 : memref<10240x128xf32, #tpu.memory_space<hbm>>) target(%arg8 : memref<128x128xf32, #tpu.memory_space<vmem>>) offsets(%dma_start3A_58 : memref<128xi32, #tpu.memory_space<vmem>>) semaphore(%arg11 : memref<!tpu.dma_semaphore, #tpu.memory_space<semaphore_mem>>)
      } else {
      }
      "tpu.region"() ({
        %run_scoped3A = tpu.sem_alloc : memref<!tpu.dma_semaphore, #tpu.memory_space<semaphore_mem>>
        %dma_start3A_54 = arith.constant 0 : i32
        %dma_start3A_55 = tpu.memref_slice %arg7[%add3A_34, %dma_start3A_54] : memref<160x128xi32, #tpu.memory_space<vmem>> -> memref<1x128xi32, #tpu.memory_space<vmem>>
        %dma_start3A_56 = tpu.memref_squeeze %dma_start3A_55 : memref<1x128xi32, #tpu.memory_space<vmem>> -> memref<128xi32, #tpu.memory_space<vmem>>
        %dma_start3A_57 = arith.constant 0 : i32
        %dma_start3A_58 = arith.constant 0 : i32
        %dma_start3A_59 = tpu.memref_slice %arg10[%dma_start3A_57, %dma_start3A_58] : memref<5128x128xf32, #tpu.memory_space<vmem_shared>> -> memref<5128x128xf32, #tpu.memory_space<vmem_shared>>
        tpu.enqueue_indirect_dma source(%arg9 : memref<128x128xf32, #tpu.memory_space<vmem>>) target(%dma_start3A_59 : memref<5128x128xf32, #tpu.memory_space<vmem_shared>>) offsets(%dma_start3A_56 : memref<128xi32, #tpu.memory_space<vmem>>) semaphore(%run_scoped3A : memref<!tpu.dma_semaphore, #tpu.memory_space<semaphore_mem>>) {add = true}
        %dma_wait3A_60 = arith.constant 0 : i32
        %dma_wait3A_61 = tpu.memref_slice %arg7[%add3A_34, %dma_wait3A_60] : memref<160x128xi32, #tpu.memory_space<vmem>> -> memref<1x128xi32, #tpu.memory_space<vmem>>
        %dma_wait3A_62 = tpu.memref_squeeze %dma_wait3A_61 : memref<1x128xi32, #tpu.memory_space<vmem>> -> memref<128xi32, #tpu.memory_space<vmem>>
        %dma_wait3A_63 = arith.constant 0 : i32
        %dma_wait3A_64 = arith.constant 0 : i32
        %dma_wait3A_65 = tpu.memref_slice %arg10[%dma_wait3A_63, %dma_wait3A_64] : memref<5128x128xf32, #tpu.memory_space<vmem_shared>> -> memref<5128x128xf32, #tpu.memory_space<vmem_shared>>
        tpu.wait_indirect_dma semaphore(%run_scoped3A : memref<!tpu.dma_semaphore, #tpu.memory_space<semaphore_mem>>) src(%arg9 : memref<128x128xf32, #tpu.memory_space<vmem>>) dst(%dma_wait3A_65 : memref<5128x128xf32, #tpu.memory_space<vmem_shared>>)
        tpu.yield
      }) : () -> ()
    }
    %scan3A_26 = arith.constant 80 : i32
    %barrier3A_27 = arith.constant 0 : index
    tpu.barrier barrier_id(%barrier3A_27)
    %mul3A_28 = arith.constant 320 : i32
    %mul3A_29 = arith.muli %arg1, %mul3A_28 : i32
    "tpu.region"() ({
      %run_scoped3A = tpu.sem_alloc : memref<!tpu.dma_semaphore, #tpu.memory_space<semaphore_mem>>
      %dma_start3A_30 = arith.constant 0 : i32
      %dma_start3A_31 = arith.constant 0 : i32
      %dma_start3A_32 = tpu.memref_slice %arg5[%arg0, %arg1, %dma_start3A_30, %dma_start3A_31] : memref<2x16x320x128xf32, #tpu.memory_space<hbm>> -> memref<1x1x320x128xf32, #tpu.memory_space<hbm>>
      %dma_start3A_33 = tpu.memref_squeeze %dma_start3A_32 : memref<1x1x320x128xf32, #tpu.memory_space<hbm>> -> memref<320x128xf32, #tpu.memory_space<hbm>>
      %dma_start3A_34 = arith.constant 0 : i32
      %dma_start3A_35 = tpu.memref_slice %arg10[%mul3A_29, %dma_start3A_34] : memref<5128x128xf32, #tpu.memory_space<vmem_shared>> -> memref<320x128xf32, #tpu.memory_space<vmem_shared>>
      tpu.enqueue_dma source(%dma_start3A_35 : memref<320x128xf32, #tpu.memory_space<vmem_shared>>) target(%dma_start3A_33 : memref<320x128xf32, #tpu.memory_space<hbm>>) target_semaphore(%run_scoped3A : memref<!tpu.dma_semaphore, #tpu.memory_space<semaphore_mem>>)
      %dma_wait3A = arith.constant 0 : i32
      %dma_wait3A_36 = arith.constant 0 : i32
      %dma_wait3A_37 = tpu.memref_slice %arg5[%arg0, %arg1, %dma_wait3A, %dma_wait3A_36] : memref<2x16x320x128xf32, #tpu.memory_space<hbm>> -> memref<1x1x320x128xf32, #tpu.memory_space<hbm>>
      %dma_wait3A_38 = tpu.memref_squeeze %dma_wait3A_37 : memref<1x1x320x128xf32, #tpu.memory_space<hbm>> -> memref<320x128xf32, #tpu.memory_space<hbm>>
      %dma_wait3A_39 = arith.constant 0 : i32
      %dma_wait3A_40 = tpu.memref_slice %arg10[%mul3A_29, %dma_wait3A_39] : memref<5128x128xf32, #tpu.memory_space<vmem_shared>> -> memref<320x128xf32, #tpu.memory_space<vmem_shared>>
      tpu.wait_dma2 semaphore(%run_scoped3A : memref<!tpu.dma_semaphore, #tpu.memory_space<semaphore_mem>>) src(%dma_wait3A_40 : memref<320x128xf32, #tpu.memory_space<vmem_shared>>) dst(%dma_wait3A_38 : memref<320x128xf32, #tpu.memory_space<hbm>>)
      tpu.yield
    }) : () -> ()
    return
  }
}

module attributes {stable_mosaic.version = 14 : i64} {
  func.func @_mm_scale_body(%arg0: i32, %arg1: memref<1024x128xf32, #tpu.memory_space<vmem>>, %arg2: memref<128x128xf32, #tpu.memory_space<vmem>>, %arg3: memref<1024x128xf32, #tpu.memory_space<vmem>>, %arg4: memref<1024x128xf32, #tpu.memory_space<vmem>>) attributes {dimension_semantics = [#tpu.dimension_semantics<arbitrary>], iteration_bounds = array<i64: 10>, scalar_prefetch = 0 : i64, scratch_operands = 0 : i64, tpu.core_type = #tpu.core_type<tc>, window_params = [{transform_indices = @transform_0, window_bounds = array<i64: 1024, 128>}, {pipeline_mode = #tpu.pipeline_mode<synchronous>, transform_indices = @transform_1, window_bounds = array<i64: 128, 128>}, {transform_indices = @transform_2, window_bounds = array<i64: 1024, 128>}, {transform_indices = @transform_3, window_bounds = array<i64: 1024, 128>}]} {
    %get3A = arith.constant 0 : index
    %get3A_0 = arith.constant 0 : index
    %get3A_1 = vector.load %arg1[%get3A, %get3A_0] : memref<1024x128xf32, #tpu.memory_space<vmem>>, vector<1024x128xf32>
    %get3A_2 = arith.constant 0 : index
    %get3A_3 = arith.constant 0 : index
    %get3A_4 = vector.load %arg2[%get3A_2, %get3A_3] : memref<128x128xf32, #tpu.memory_space<vmem>>, vector<128x128xf32>
    %dot_general3A = arith.constant dense<0.000000e+00> : vector<1024x128xf32>
    %dot_general3A_5 = tpu.matmul %get3A_1, %get3A_4, %dot_general3A {dimension_numbers = #tpu.dot_dimension_numbers<[1], [0], [0], [1], [0, 0, 1, 1], [], []>, transpose_lhs_hint = false} : vector<1024x128xf32>, vector<128x128xf32>, vector<1024x128xf32> -> vector<1024x128xf32>
    %get3A_6 = arith.constant 0 : index
    %get3A_7 = arith.constant 0 : index
    %get3A_8 = vector.load %arg3[%get3A_6, %get3A_7] : memref<1024x128xf32, #tpu.memory_space<vmem>>, vector<1024x128xf32>
    %mul3A = arith.mulf %dot_general3A_5, %get3A_8 : vector<1024x128xf32>
    %swap3A = arith.constant 0 : index
    %swap3A_9 = arith.constant 0 : index
    %swap3A_10 = vector.load %arg4[%swap3A, %swap3A_9] : memref<1024x128xf32, #tpu.memory_space<vmem>>, vector<1024x128xf32>
    tpu.vector_store %arg4[%swap3A, %swap3A_9], %mul3A {strides = array<i32>} : memref<1024x128xf32, #tpu.memory_space<vmem>>, vector<1024x128xf32>,
    return
  }
  func.func @transform_0(%arg0: i32) -> (i32, i32) {
    %c0_i32 = arith.constant 0 : i32
    %c0_i32_0 = arith.constant 0 : i32
    return %arg0, %c0_i32 : i32, i32
  }
  func.func @transform_1(%arg0: i32) -> (i32, i32) {
    %c0_i32 = arith.constant 0 : i32
    %c0_i32_0 = arith.constant 0 : i32
    %c0_i32_1 = arith.constant 0 : i32
    return %c0_i32, %c0_i32_0 : i32, i32
  }
  func.func @transform_2(%arg0: i32) -> (i32, i32) {
    %c0_i32 = arith.constant 0 : i32
    %c0_i32_0 = arith.constant 0 : i32
    return %arg0, %c0_i32 : i32, i32
  }
  func.func @transform_3(%arg0: i32) -> (i32, i32) {
    %c0_i32 = arith.constant 0 : i32
    %c0_i32_0 = arith.constant 0 : i32
    return %arg0, %c0_i32 : i32, i32
  }
}

module attributes {stable_mosaic.version = 14 : i64} {
  func.func @_layer_body(%arg0: i32, %arg1: memref<1024x128xf32, #tpu.memory_space<vmem>>, %arg2: memref<1024x128xf32, #tpu.memory_space<vmem>>, %arg3: memref<1024x128xf32, #tpu.memory_space<vmem>>, %arg4: memref<1x128xf32, #tpu.memory_space<vmem>>, %arg5: memref<128x128xf32, #tpu.memory_space<vmem>>, %arg6: memref<1024x128xf32, #tpu.memory_space<vmem>>) attributes {dimension_semantics = [#tpu.dimension_semantics<arbitrary>], iteration_bounds = array<i64: 10>, scalar_prefetch = 0 : i64, scratch_operands = 0 : i64, tpu.core_type = #tpu.core_type<tc>, window_params = [{transform_indices = @transform_0, window_bounds = array<i64: 1024, 128>}, {transform_indices = @transform_1, window_bounds = array<i64: 1024, 128>}, {transform_indices = @transform_2, window_bounds = array<i64: 1024, 128>}, {pipeline_mode = #tpu.pipeline_mode<synchronous>, transform_indices = @transform_3, window_bounds = array<i64: 1, 128>}, {pipeline_mode = #tpu.pipeline_mode<synchronous>, transform_indices = @transform_4, window_bounds = array<i64: 128, 128>}, {transform_indices = @transform_5, window_bounds = array<i64: 1024, 128>}]} {
    %get3A = arith.constant 0 : index
    %get3A_0 = arith.constant 0 : index
    %get3A_1 = vector.load %arg1[%get3A, %get3A_0] : memref<1024x128xf32, #tpu.memory_space<vmem>>, vector<1024x128xf32>
    %get3A_2 = arith.constant 0 : index
    %get3A_3 = arith.constant 0 : index
    %get3A_4 = vector.load %arg2[%get3A_2, %get3A_3] : memref<1024x128xf32, #tpu.memory_space<vmem>>, vector<1024x128xf32>
    %add3A = arith.addf %get3A_1, %get3A_4 : vector<1024x128xf32>
    %get3A_5 = arith.constant 0 : index
    %get3A_6 = arith.constant 0 : index
    %get3A_7 = vector.load %arg3[%get3A_5, %get3A_6] : memref<1024x128xf32, #tpu.memory_space<vmem>>, vector<1024x128xf32>
    %mul3A = arith.mulf %add3A, %get3A_7 : vector<1024x128xf32>
    %get3A_8 = arith.constant 0 : index
    %get3A_9 = arith.constant 0 : index
    %get3A_10 = vector.load %arg4[%get3A_8, %get3A_9] : memref<1x128xf32, #tpu.memory_space<vmem>>, vector<1x128xf32>
    %add3A_11 = vector.broadcast %get3A_10 : vector<1x128xf32> to vector<1024x128xf32>
    %add3A_12 = arith.addf %mul3A, %add3A_11 : vector<1024x128xf32>
    %max3A = arith.constant 0.000000e+00 : f32
    %max3A_13 = vector.broadcast %max3A : f32 to vector<1024x128xf32>
    %max3A_14 = arith.maximumf %add3A_12, %max3A_13 : vector<1024x128xf32>
    %get3A_15 = arith.constant 0 : index
    %get3A_16 = arith.constant 0 : index
    %get3A_17 = vector.load %arg5[%get3A_15, %get3A_16] : memref<128x128xf32, #tpu.memory_space<vmem>>, vector<128x128xf32>
    %dot_general3A = arith.constant dense<0.000000e+00> : vector<1024x128xf32>
    %dot_general3A_18 = tpu.matmul %max3A_14, %get3A_17, %dot_general3A {dimension_numbers = #tpu.dot_dimension_numbers<[1], [0], [0], [1], [0, 0, 1, 1], [], []>, transpose_lhs_hint = false} : vector<1024x128xf32>, vector<128x128xf32>, vector<1024x128xf32> -> vector<1024x128xf32>
    %get3A_19 = arith.constant 0 : index
    %get3A_20 = arith.constant 0 : index
    %get3A_21 = vector.load %arg3[%get3A_19, %get3A_20] : memref<1024x128xf32, #tpu.memory_space<vmem>>, vector<1024x128xf32>
    %mul3A_22 = arith.mulf %dot_general3A_18, %get3A_21 : vector<1024x128xf32>
    %swap3A = arith.constant 0 : index
    %swap3A_23 = arith.constant 0 : index
    %swap3A_24 = vector.load %arg6[%swap3A, %swap3A_23] : memref<1024x128xf32, #tpu.memory_space<vmem>>, vector<1024x128xf32>
    tpu.vector_store %arg6[%swap3A, %swap3A_23], %mul3A_22 {strides = array<i32>} : memref<1024x128xf32, #tpu.memory_space<vmem>>, vector<1024x128xf32>,
    return
  }
  func.func @transform_0(%arg0: i32) -> (i32, i32) {
    %c0_i32 = arith.constant 0 : i32
    %c0_i32_0 = arith.constant 0 : i32
    return %arg0, %c0_i32 : i32, i32
  }
  func.func @transform_1(%arg0: i32) -> (i32, i32) {
    %c0_i32 = arith.constant 0 : i32
    %c0_i32_0 = arith.constant 0 : i32
    return %arg0, %c0_i32 : i32, i32
  }
  func.func @transform_2(%arg0: i32) -> (i32, i32) {
    %c0_i32 = arith.constant 0 : i32
    %c0_i32_0 = arith.constant 0 : i32
    return %arg0, %c0_i32 : i32, i32
  }
  func.func @transform_3(%arg0: i32) -> (i32, i32) {
    %c0_i32 = arith.constant 0 : i32
    %c0_i32_0 = arith.constant 0 : i32
    %c0_i32_1 = arith.constant 0 : i32
    return %c0_i32, %c0_i32_0 : i32, i32
  }
  func.func @transform_4(%arg0: i32) -> (i32, i32) {
    %c0_i32 = arith.constant 0 : i32
    %c0_i32_0 = arith.constant 0 : i32
    %c0_i32_1 = arith.constant 0 : i32
    return %c0_i32, %c0_i32_0 : i32, i32
  }
  func.func @transform_5(%arg0: i32) -> (i32, i32) {
    %c0_i32 = arith.constant 0 : i32
    %c0_i32_0 = arith.constant 0 : i32
    return %arg0, %c0_i32 : i32, i32
  }
}

module attributes {stable_mosaic.version = 14 : i64} {
  func.func @_final_body(%arg0: i32, %arg1: memref<1024x128xf32, #tpu.memory_space<vmem>>, %arg2: memref<1024x128xf32, #tpu.memory_space<vmem>>, %arg3: memref<1024x128xf32, #tpu.memory_space<vmem>>, %arg4: memref<1x128xf32, #tpu.memory_space<vmem>>, %arg5: memref<1x128xf32, #tpu.memory_space<vmem>>) attributes {dimension_semantics = [#tpu.dimension_semantics<arbitrary>], iteration_bounds = array<i64: 10>, scalar_prefetch = 0 : i64, scratch_operands = 0 : i64, tpu.core_type = #tpu.core_type<tc>, window_params = [{transform_indices = @transform_0, window_bounds = array<i64: 1024, 128>}, {transform_indices = @transform_1, window_bounds = array<i64: 1024, 128>}, {transform_indices = @transform_2, window_bounds = array<i64: 1024, 128>}, {pipeline_mode = #tpu.pipeline_mode<synchronous>, transform_indices = @transform_3, window_bounds = array<i64: 1, 128>}, {pipeline_mode = #tpu.pipeline_mode<synchronous>, transform_indices = @transform_4, window_bounds = array<i64: 1, 128>}]} {
    %get3A = arith.constant 0 : index
    %get3A_0 = arith.constant 0 : index
    %get3A_1 = vector.load %arg1[%get3A, %get3A_0] : memref<1024x128xf32, #tpu.memory_space<vmem>>, vector<1024x128xf32>
    %get3A_2 = arith.constant 0 : index
    %get3A_3 = arith.constant 0 : index
    %get3A_4 = vector.load %arg2[%get3A_2, %get3A_3] : memref<1024x128xf32, #tpu.memory_space<vmem>>, vector<1024x128xf32>
    %add3A = arith.addf %get3A_1, %get3A_4 : vector<1024x128xf32>
    %get3A_5 = arith.constant 0 : index
    %get3A_6 = arith.constant 0 : index
    %get3A_7 = vector.load %arg3[%get3A_5, %get3A_6] : memref<1024x128xf32, #tpu.memory_space<vmem>>, vector<1024x128xf32>
    %mul3A = arith.mulf %add3A, %get3A_7 : vector<1024x128xf32>
    %get3A_8 = arith.constant 0 : index
    %get3A_9 = arith.constant 0 : index
    %get3A_10 = vector.load %arg4[%get3A_8, %get3A_9] : memref<1x128xf32, #tpu.memory_space<vmem>>, vector<1x128xf32>
    %add3A_11 = vector.broadcast %get3A_10 : vector<1x128xf32> to vector<1024x128xf32>
    %add3A_12 = arith.addf %mul3A, %add3A_11 : vector<1024x128xf32>
    %max3A = arith.constant 0.000000e+00 : f32
    %max3A_13 = vector.broadcast %max3A : f32 to vector<1024x128xf32>
    %max3A_14 = arith.maximumf %add3A_12, %max3A_13 : vector<1024x128xf32>
    %iota3A = tpu.iota {dimensions = array<i32: 0>} : vector<1024x128xi32>
    %mul3A_15 = arith.constant 1024 : i32
    %mul3A_16 = arith.muli %arg0, %mul3A_15 : i32
    %add3A_17 = vector.broadcast %mul3A_16 : i32 to vector<1024x128xi32>
    %add3A_18 = arith.addi %iota3A, %add3A_17 : vector<1024x128xi32>
    %lt3A = arith.constant 10000 : i32
    %lt3A_19 = vector.broadcast %lt3A : i32 to vector<1024x128xi32>
    %lt3A_20 = arith.cmpi slt, %add3A_18, %lt3A_19 : vector<1024x128xi32>
    %jit3A = arith.constant 0.000000e+00 : f32
    %broadcast_in_dim3A = vector.broadcast %jit3A : f32 to vector<1024x128xf32>
    %select_n3A = arith.select %lt3A_20, %max3A_14, %broadcast_in_dim3A : vector<1024x128xi1>, vector<1024x128xf32>
    %eq3A = arith.constant 0 : i32
    %eq3A_21 = arith.cmpi eq, %arg0, %eq3A : i32
    %convert_element_type3A = arith.extui %eq3A_21 : i1 to i32
    %cond3A = arith.constant 0 : i32
    %cond3A_22 = arith.cmpi ne, %convert_element_type3A, %cond3A : i32
    scf.if %cond3A_22 {
      %broadcast_in_dim3A_31 = arith.constant 0.000000e+00 : f32
      %broadcast_in_dim3A_32 = vector.broadcast %broadcast_in_dim3A_31 : f32 to vector<1x128xf32>
      %swap3A_33 = arith.constant 0 : index
      %swap3A_34 = arith.constant 0 : index
      %swap3A_35 = vector.load %arg5[%swap3A_33, %swap3A_34] : memref<1x128xf32, #tpu.memory_space<vmem>>, vector<1x128xf32>
      tpu.vector_store %arg5[%swap3A_33, %swap3A_34], %broadcast_in_dim3A_32 {strides = array<i32>} : memref<1x128xf32, #tpu.memory_space<vmem>>, vector<1x128xf32>,
    } else {
    }
    %get3A_23 = arith.constant 0 : index
    %get3A_24 = arith.constant 0 : index
    %get3A_25 = vector.load %arg5[%get3A_23, %get3A_24] : memref<1x128xf32, #tpu.memory_space<vmem>>, vector<1x128xf32>
    %reduce_sum3A = arith.constant dense<0.000000e+00> : vector<128xf32>
    %reduce_sum3A_26 = vector.multi_reduction <add>, %select_n3A, %reduce_sum3A [0] : vector<1024x128xf32> to vector<128xf32>
    %broadcast_in_dim3A_27 = vector.shape_cast %reduce_sum3A_26 : vector<128xf32> to vector<1x128xf32>
    %add3A_28 = arith.addf %get3A_25, %broadcast_in_dim3A_27 : vector<1x128xf32>
    %swap3A = arith.constant 0 : index
    %swap3A_29 = arith.constant 0 : index
    %swap3A_30 = vector.load %arg5[%swap3A, %swap3A_29] : memref<1x128xf32, #tpu.memory_space<vmem>>, vector<1x128xf32>
    tpu.vector_store %arg5[%swap3A, %swap3A_29], %add3A_28 {strides = array<i32>} : memref<1x128xf32, #tpu.memory_space<vmem>>, vector<1x128xf32>,
    return
  }
  func.func @transform_0(%arg0: i32) -> (i32, i32) {
    %c0_i32 = arith.constant 0 : i32
    %c0_i32_0 = arith.constant 0 : i32
    return %arg0, %c0_i32 : i32, i32
  }
  func.func @transform_1(%arg0: i32) -> (i32, i32) {
    %c0_i32 = arith.constant 0 : i32
    %c0_i32_0 = arith.constant 0 : i32
    return %arg0, %c0_i32 : i32, i32
  }
  func.func @transform_2(%arg0: i32) -> (i32, i32) {
    %c0_i32 = arith.constant 0 : i32
    %c0_i32_0 = arith.constant 0 : i32
    return %arg0, %c0_i32 : i32, i32
  }
  func.func @transform_3(%arg0: i32) -> (i32, i32) {
    %c0_i32 = arith.constant 0 : i32
    %c0_i32_0 = arith.constant 0 : i32
    %c0_i32_1 = arith.constant 0 : i32
    return %c0_i32, %c0_i32_0 : i32, i32
  }
  func.func @transform_4(%arg0: i32) -> (i32, i32) {
    %c0_i32 = arith.constant 0 : i32
    %c0_i32_0 = arith.constant 0 : i32
    %c0_i32_1 = arith.constant 0 : i32
    return %c0_i32, %c0_i32_0 : i32, i32
  }
}

</mosaic_0001>

<sc_bundles>
// kernel: kernel.11.cloned.1.call-start
scs
__scs_entry_jumppad:
0x0: {  	(pc) =	sbr.rel $0x88, $3  }
0x1: {  	(tag) =	ssettag $0x0;
	lr =	simm.s32 $0x1  }
0x2: {  	[smem:$0x3F99] =	sst lr;
	_ =	strace $0xD0000000  }
0x3: {  	_ = 	snop  }
0x4: {  	_ = 	snop  }
0x5: {  	_ = 	snop  }
0x6: {  	_ = 	snop  }
0x7: {  	_ = 	snop  }
__scs_overlays_trampoline_lowered:
0x8: {  	[smem:$0x3FA8] =	sst s0  }
0x9: {  	[smem:$0x3FA9] =	sst s1  }
0xa: {  	[smem:$0x3FAA] =	sst s2  }
0xb: {  	[smem:$0x3FAB] =	sst s3  }
0xc: {  	[smem:$0x3FAC] =	sst s4  }
0xd: {  	[smem:$0x3FAD] =	sst s5  }
0xe: {  	[smem:$0x3FAE] =	sst s6  }
0xf: {  	[smem:$0x3FAF] =	sst s7  }
0x10: {  	[smem:$0x3FB0] =	sst s8  }
0x11: {  	[smem:$0x3FB1] =	sst s9;
	s0 =	simm.s32 @!p0 $0x0  }
0x12: {  	s1 =	sld [smem:$0x3F97];
	s0 =	simm.s32 @p0 $0x1  }
0x13: {  	[smem:$0x3FB2] =	sst s0;
	s0 =	simm.s32 @!p1 $0x0  }
0x14: {  	s2 =	sld [smem:$0x3F96];
	s0 =	simm.s32 @p1 $0x1  }
0x15: {  	[smem:$0x3FB3] =	sst s0;
	s0 =	simm.s32 @!p2 $0x0  }
0x16: {  	s3 =	sld [smem:$0x3FDB];
	s0 =	simm.s32 @p2 $0x1  }
0x17: {  	s4 =	simm.s32 $0x1BF5;
	[smem:$0x3FB5] =	sst s0  }
0x18: {  	s0 =	sld [smem:$0x3F98];
	_ =	swait.ge [sflag:s4], $0x0  }
0x19: {  	s7 =	sld [smem:$0x3F99]  }
0x1a: {  	s8 =	sadd.s32 $0xFFFFE003, lr  }
0x1b: {  	s9 =	sadd.s32 $0xFFFFFEF7, lr;
	s5 =	simm.s32 $0xFFFFFFFF;
	p2 =	slt.u32 s8, $0xFFFFF086  }
0x1c: {  	p1 =	slt.u32 s9, $0xF7A;
	s5 =	simm.s32 @!p2 $0x0  }
0x1d: {  	s5 =	simm.s32 @p1 $0x1;
	p0 =	seq.s32 s7, s2  }
0x1e: {  	s7 =	smul.u32 @!p0 $0xF7A, s2;
	p2 =	seq.s32 @!p0 s5, $0x0  }
0x1f: {  	s9 =	smul.u32 $0xF7A, s1;
	s8 =	simm.s32 @!p0 $0x1BF5;
	p2 =	por !p2, p0  }
0x20: {  	[sflag:s8] =	ssyncset.s32 @!p0 $0xFFFFF086;
	s6 =	sadd.s32 @!p0 s3, s7;
	s7 =	simm.s32 @!p0 $0x108  }
0x21: {  	s3 =	sadd.s32 s3, s9;
	s6 =	sadd.s32 @!p0 $0x88, s6;
	s7 =	simm.s32 @p2 $0x1082  }
0x22: {  	[simem:s7], [sflag:s8] =	dma.local @!p0 [hbm:s6], $0xF7A  }
0x23: {  	s9 =	sor.u32 $0xD0000000, s2;
	s6 =	simm.s32 $0x108;
	_ =	swait.ge @!p0 [sflag:s8], $0x0  }
0x24: {  	s3 =	sadd.s32 $0x88, s3;
	s6 =	simm.s32 @!p1 $0x1082;
	[sflag:s4] =	ssyncset.s32 $0xFFFFF086  }
0x25: {  	[simem:s6], [sflag:s4] =	dma.local [hbm:s3], $0xF7A  }
0x26: {  	[smem:$0x3F99] =	sst s1;
	(tag) =	ssettag s2;
	_ =	strace s9  }
0x27: {  	s1 =	sld [smem:$0x3FA9]  }
0x28: {  	s2 =	sld [smem:$0x3FAA]  }
0x29: {  	s4 =	sld [smem:$0x3FAC]  }
0x2a: {  	p0 =	seq.s32 s5, $0x0;
	s5 =	sld [smem:$0x3FAD]  }
0x2b: {  	s6 =	sld [smem:$0x3FAE]  }
0x2c: {  	s7 =	sld [smem:$0x3FAF]  }
0x2d: {  	s3 =	simm.s32 $0x108;
	s8 =	sld [smem:$0x3FB0]  }
0x2e: {  	s3 =	simm.s32 @!p0 $0x1082;
	s9 =	sld [smem:$0x3FB1]  }
0x2f: {  	lr =	sadd.s32 s0, s3;
	s0 =	sld [smem:$0x3FA8]  }
0x30: {  	s3 =	sld [smem:$0x3FAB]  }
0x31: {  	[smem:$0x3FB4] =	sst s10  }
0x32: {  	s10 =	sld [smem:$0x3FB2];
	_ =	sdelay $0x3  }
0x33: {  	p0 =	seq.s32 s10, $0x1;
	s10 =	sld [smem:$0x3FB4];
	_ =	sdelay $0x3  }
0x34: {  	[smem:$0x3FB4] =	sst s10  }
0x35: {  	s10 =	sld [smem:$0x3FB3];
	_ =	sdelay $0x3  }
0x36: {  	p1 =	seq.s32 s10, $0x1;
	s10 =	sld [smem:$0x3FB4];
	_ =	sdelay $0x3  }
0x37: {  	[smem:$0x3FB4] =	sst s10  }
0x38: {  	s10 =	sld [smem:$0x3FB5]  }
0x39: {  	_ = 	snop;
	(pc) =	sbr.ind lr, $3  }
0x3a: {  	_ = 	snop  }
0x3b: {  	_ = 	snop  }
0x3c: {  	p2 =	seq.s32 s10, $0x1;
	s10 =	sld [smem:$0x3FB4]  }
0x3d: {  	_ =	shalt  }
0x3e: {  	_ =	shalt  }
0x3f: {  	_ =	shalt  }
0x40: {  	_ =	shalt  }
0x41: {  	_ =	shalt  }
0x42: {  	_ =	shalt  }
0x43: {  	_ =	shalt  }
0x44: {  	_ =	shalt  }
0x45: {  	_ =	shalt  }
0x46: {  	_ =	shalt  }
0x47: {  	_ =	shalt  }
0x48: {  	_ =	shalt  }
0x49: {  	_ =	shalt  }
0x4a: {  	_ =	shalt  }
0x4b: {  	_ =	shalt  }
0x4c: {  	_ =	shalt  }
0x4d: {  	_ =	shalt  }
0x4e: {  	_ =	shalt  }
0x4f: {  	_ =	shalt  }
0x50: {  	_ =	shalt  }
0x51: {  	_ =	shalt  }
0x52: {  	_ =	shalt  }
0x53: {  	_ =	shalt  }
0x54: {  	_ =	shalt  }
0x55: {  	_ =	shalt  }
0x56: {  	_ =	shalt  }
0x57: {  	_ =	shalt  }
0x58: {  	_ =	shalt  }
0x59: {  	_ =	shalt  }
0x5a: {  	_ =	shalt  }
0x5b: {  	_ =	shalt  }
0x5c: {  	_ =	shalt  }
0x5d: {  	_ =	shalt  }
0x5e: {  	_ =	shalt  }
0x5f: {  	_ =	shalt  }
0x60: {  	_ =	shalt  }
0x61: {  	_ =	shalt  }
0x62: {  	_ =	shalt  }
0x63: {  	_ =	shalt  }
0x64: {  	_ =	shalt  }
0x65: {  	_ =	shalt  }
0x66: {  	_ =	shalt  }
0x67: {  	_ =	shalt  }
0x68: {  	_ =	shalt  }
0x69: {  	_ =	shalt  }
0x6a: {  	_ =	shalt  }
0x6b: {  	_ =	shalt  }
0x6c: {  	_ =	shalt  }
0x6d: {  	_ =	shalt  }
0x6e: {  	_ =	shalt  }
0x6f: {  	_ =	shalt  }
0x70: {  	_ =	shalt  }
0x71: {  	_ =	shalt  }
0x72: {  	_ =	shalt  }
0x73: {  	_ =	shalt  }
0x74: {  	_ =	shalt  }
0x75: {  	_ =	shalt  }
0x76: {  	_ =	shalt  }
0x77: {  	_ =	shalt  }
0x78: {  	_ =	shalt  }
0x79: {  	_ =	shalt  }
0x7a: {  	_ =	shalt  }
0x7b: {  	_ =	shalt  }
0x7c: {  	_ =	shalt  }
0x7d: {  	_ =	shalt  }
0x7e: {  	_ =	shalt  }
0x7f: {  	_ =	shalt  }
0x80: {  	_ =	shalt  }
0x81: {  	_ =	shalt  }
0x82: {  	_ =	shalt  }
0x83: {  	_ =	shalt  }
0x84: {  	_ =	shalt  }
0x85: {  	_ =	shalt  }
0x86: {  	_ =	shalt  }
0x87: {  	_ =	shalt  }
.Lfunc_end0:
.L_simem_size_0:
called_computation.1_lowered:
.L_overlay_start_0:
0x88: {  	s2 =	sld [smem:$0x3FD9]  }
0x89: {  	s3 =	sld [smem:$0x3FFE];
	_ =	sdelay $0x1  }
0x8a: {  	s1 =	srdreg.scid  }
0x8b: {  	s0 =	sand.u32 $0x1, s1  }
0x8c: {  	s16 =	sshll.u32 s0, $0xA;
	s2 =	sadd.s32 s3, s2  }
0x8d: {  	s2 =	sadd.s32 s2, s16  }
0x8e: {  	[smem:$0x3FC0] =	sst s2  }
0x8f: {  	_ = 	snop  }
0x90: {  	(tm) =	ssettm $0x1  }
0x91: {  	s17 =	sld [smem:$0x3FFB];
	_ =	sdelay $0x3  }
0x92: {  	_ =	strace s17  }
0x93: {  	s2 =	sld [smem:$0x3FFC];
	_ =	sdelay $0x3  }
0x94: {  	_ =	strace s2  }
0x95: {  	s2 =	sld [smem:$0x3FFD];
	_ =	sdelay $0x3  }
0x96: {  	_ =	strace s2  }
0x97: {  	_ =	strace $0x8FFFFFFF  }
0x98: {  	s18 =	sld [smem:$0x3FDB];
	_ =	sdelay $0x1  }
0x99: {  	s19 =	simm.s32 $_scs_section_size  }
0x9a: {  	s4 =	simm.s32 $_size__tile_overlayer_lowered;
	s5 =	simm.s32 $_tile_overlayer_lowered  }
0x9b: {  	s22 =	simm.s32 $0x1BFF;
	s21 =	sshll.u32 s5, $0x1;
	s2 =	sadd.s32 s19, s18  }
0x9c: {  	s6 =	simm.s32 $0x0;
	s20 =	sshll.u32 s4, $0x1;
	s4 =	sadd.s32 s21, s2  }
0x9d: {  	[timem:s6], [sflag:s22] =	dma.local [hbm:s4], s20  }
0x9e: {  	_ =	swait.ge [sflag:s22], s20  }
0x9f: {  	s3 =	ssub.s32 $0x0, s20;
	[sflag:s22] =	ssyncset.done $0x0  }
0xa0: {  	[sflag:s22] =	ssyncadd.s32 s3;
	_ =	sdelay $0x1  }
0xa1: {  	s23 =	simm.s32 $0x1B8B  }
0xa2: {  	_ =	swait.ge [sflag:s23], $0x1  }
0xa3: {  	[sflag:s23] =	ssyncset.done $0x0  }
0xa4: {  	s25 =	simm.s32 $0x1B8E;
	s24 =	sld [smem:$0x3FFE];
	[sflag:s23] =	ssyncadd.s32 $0xFFFFFFFF  }
0xa5: {  	s26 =	simm.s32 $execute0_lowered;
	[smem:$0x3FD2] =	sst s25  }
0xa6: {  	s4 =	sshll.u32 s26, $0x1;
	_ =	strace $0x80000049;
	[dreg:$0x1] =	wrdreg $0xFFFFFFFF  }
0xa7: {  	s28 =	simm.s32 $_size_execute0_lowered;
	s2 =	sadd.s32 s2, s4;
	[dreg:$0x0] =	wrdreg $0x0  }
0xa8: {  	s4 =	sshll.u32 s28, $0x1;
	[dreg:$0x2] =	wrdreg s2  }
0xa9: {  	[dreg:$0x3] =	wrdreg s4  }
0xaa: {  	[dreg:$0x4] =	wrdreg $0xC0  }
0xab: {  	_ =	task [dreg:s6], $0x5FFFF  }
0xac: {  	[dreg:$0x1] =	wrdreg $0xFFFFFFFF  }
0xad: {  	[dreg:$0x0] =	wrdreg $0x60  }
0xae: {  	[dreg:$0x2] =	wrdreg s24  }
0xaf: {  	[dreg:$0x3] =	wrdreg $0x120000  }
0xb0: {  	[dreg:$0x4] =	wrdreg $0x9  }
0xb1: {  	_ =	task.clear_ibuf [dreg:s6], $0x5FFFF;
	_ =	strace $0x90000049  }
0xb2: {  	s29 =	simm.s32 $0x9;
	_ =	strace $0x8000004B  }
0xb3: {  	_ =	swait.ge [sflag:s29], $0x1  }
0xb4: {  	[sflag:s29] =	ssyncadd.s32 $0xFFFFFFFF  }
0xb5: {  	_ =	strace $0x9000004B  }
0xb6: {  	_ =	sfence  }
0xb7: {  	s30 =	sld [smem:$0x0];
	_ =	sdelay $0x2  }
0xb8: {  	s31 =	sshll.u32 s1, $0xD;
	s1 =	sshrl.u32 s1, $0x2  }
0xb9: {  	s3 =	sand.u32 $0x4000, s31;
	s1 =	sadd.s32 s1, s30  }
0xba: {  	s0 =	sor.u32 s3, s0;
	s1 =	sshll.u32 s1, $0x11  }
0xbb: {  	s0 =	sor.u32 s1, s0  }
0xbc: {  	s0 =	sadd.s32 $0x8F2B, s0  }
0xbd: {  	[sflag:s0] =	ssyncadd.remote.s32 $0x1  }
0xbe: {  	_ =	sfence.sel $0xFFFF  }
0xbf: {  	[dreg:$0x0] =	wrdreg $0xFFFFFFFF;
	(pc) =	sbr.abs _section_cstart, $3  }
0xc0: {  	[dreg:$0x1] =	wrdreg $0xFFFFFFFF  }
0xc1: {  	_ =	task.clear_ibuf [dreg:s6], $0x2FFFF;
	_ =	strace $0x9FFFFFFF  }
0xc2: {  	(tm) =	ssettm $0x7FFFFFFF  }
0xc3: {  	_ =	shalt  }
tec
execute0_lowered:
.L_overlay_start_1:
0x0: {  	(tag) =	ssettag $0x1  }
0x1: {  	s5 =	rddreg [dreg:$0x0]  }
0x2: {  	s2 =	rddreg [dreg:$0x1]  }
0x3: {  	s0 =	rddreg [dreg:$0x2]  }
0x4: {  	s1 =	stileid.u32;
	s4 =	srdreg.scid;
	s3 =	simm.s32 $0x0  }
0x5: {  	s14 =	simm.s32 $0x5000;
	s15 =	simm.s32 $0x80;
	s16 =	simm.s32 $0x1  }
0x6: {  	s17 =	simm.s32 $0xE000;
	s18 =	simm.s32 $0x2;
	s6 =	smul.u32 $0x5000, s1  }
0x7: {  	s19 =	simm.s32 $0x4F80;
	s20 =	simm.s32 $0x9F00;
	s10 =	smul.u32 $0xA000, s1  }
0x8: {  	s21 =	simm.s32 $0x9F80;
	s7 =	sand.u32 $0x1, s4;
	s11 =	smul.u32 $0x28000, s1  }
0x9: {  	s22 =	simm.s32 $0x0;
	[smem:$0x7FF] =	sst s3;
	s8 =	smul.u32 $0x50000, s7  }
0xa: {  	s4 =	sadd.s32 $0x21000, s5;
	s9 =	smul.u32 $0xA0000, s7;
	s7 =	ssub.s32 $0x2, s7  }
0xb: {  	_ =	strace $0x8000004A;
	s28 =	sshrl.u32 s11, $0x2;
	s30 =	sshrl.u32 s7, $0x1  }
0xc: {  	s8 =	sadd.s32 s6, s8;
	s6 =	sshrl.u32 s6, $0x3;
	s26 =	sadd.s32 s10, s9  }
0xd: {  	s31 =	ssub.s32 s7, s30;
	s8 =	sshrl.u32 s8, $0x3;
	s12 =	sadd.s32 s6, s5  }
0xe: {  	s6 =	sshrl.u32 s26, $0x3;
	s11 =	smax.u32 s31, $0x1;
	s13 =	sadd.s32 s8, s5  }
0xf: {  	s29 =	sadd.s32 s6, s5;
	s5 =	sadd.s32 s28, s2;
	s8 =	sadd.s32 $0x17000, s12  }
0x10: {  	s12 =	simm.s32 $0xA000;
	s6 =	sadd.s32 $0x4000, s5;
	s7 =	sadd.s32 $0x8000, s5  }
0x11: {  	v0 =	vimm.f32 $0.0e+00;
	s9 =	sadd.s32 $0x2A00, s13;
	s10 =	sadd.s32 $0x49000, s29;
	s13 =	simm.s32 $0x3  }
.LBB2_1:
0x12: {  	s23 =	sand.u32 $0xFE00, s3  }
0x13: {  	s24 =	sand.u32 $0x70, s3;
	s25 =	sshrl.u32 s23, $0x2  }
0x14: {  	s23 =	simm.s32 $0x40;
	s25 =	sor.u32 s24, s25;
	s24 =	simm.s32 $0x0  }
.LBB2_2:
0x15: {  	p0 =	sne.s32 s23, $0xFFC0  }
0x16: {  	[tilespmem:s25+$0xA000] =	vst v0;
	s24 =	sadd.s32 $0x10, s24;
	s25 =	smov.u32 s23;
	s23 =	sadd.s32 $0x40, s23  }
.Ltmp0:
0x17: {  	(pc) =	sbr.rel @p0 .LBB2_2-.Ltmp0, $4  }
0x18: {  	_ = 	snop  }
0x19: {  	s25 =	sand.u32 $0xFE00, s25  }
0x1a: {  	s26 =	sand.u32 $0x70, s24;
	s25 =	sshrl.u32 s25, $0x2  }
0x1b: {  	s25 =	sor.u32 s26, s25  }
0x1c: {  	[tilespmem:s25+$0xA000] =	vst v0  }
0x1d: {  	[spmem:s5] =	stream.linear.scatter [tilespmem:s12], [sflag:$0x3], $0x4000, $0x38;
	[tilespmem:$0x1C040] =	vst v63  }
0x1e: {  	_ =	swait.ge [sflag:s13], $0x4000  }
0x1f: {  	[sflag:s13] =	ssyncset.done $0x0  }
0x20: {  	[sflag:s13] =	ssyncadd.s32 $0xFFFFC000  }
0x21: {  	[spmem:s6] =	stream.linear.scatter [tilespmem:s12], [sflag:$0x3], $0x4000, $0x38;
	[tilespmem:$0x1C040] =	vst v63  }
0x22: {  	_ =	swait.ge [sflag:s13], $0x4000  }
0x23: {  	[sflag:s13] =	ssyncset.done $0x0  }
0x24: {  	[sflag:s13] =	ssyncadd.s32 $0xFFFFC000  }
0x25: {  	[spmem:s7] =	stream.linear.scatter [tilespmem:s12], [sflag:$0x3], $0x2000, $0x38;
	[tilespmem:$0x1C040] =	vst v63  }
0x26: {  	_ =	swait.ge [sflag:s13], $0x2000  }
0x27: {  	[sflag:s13] =	ssyncset.done $0x0  }
0x28: {  	[sflag:s13] =	ssyncadd.s32 $0xFFFFE000  }
0x29: {  	s23 =	simm.s32 $0x0;
	[bflag:$0x0] =	sbarrier.arrive $0xFFFF  }
0x2a: {  	[tilespmem:s23], [sflag:$0x3] =	stream.linear.gather [hbm4b:s8+s23], $0x5000, $0x38;
	[tilespmem:$0x1C040] =	vst v63  }
0x2b: {  	_ =	swait.ge [sflag:s13], $0x5000  }
0x2c: {  	[sflag:s13] =	ssyncset.done $0x0  }
0x2d: {  	[sflag:s13] =	ssyncadd.s32 $0xFFFFB000  }
0x2e: {  	[tilespmem:s14], [sflag:$0x3] =	stream.linear.gather [hbm4b:s9+s23], $0x5000, $0x38;
	[tilespmem:$0x1C040] =	vst v63  }
0x2f: {  	_ =	swait.ge [sflag:s13], $0x5000  }
0x30: {  	[sflag:s13] =	ssyncset.done $0x0  }
0x31: {  	[sflag:s13] =	ssyncadd.s32 $0xFFFFB000  }
0x32: {  	[tilespmem:s12], [sflag:$0x1] =	stream.indirect.gather [hbm4b:s4+s15], $0x80, s23, s15, $0xb8;
	[tilespmem:$0x1C040] =	vst v63  }
0x33: {  	_ =	swait.ge [sflag:s16], $0x4000  }
0x34: {  	[sflag:s16] =	ssyncset.done $0x0  }
0x35: {  	s28 =	simm.s32 $0x80;
	[sflag:s16] =	ssyncadd.s32 $0xFFFFC000  }
0x36: {  	[tilespmem:s17], [sflag:$0x2] =	stream.indirect.gather [hbm4b:s4+s15], $0x80, s28, s15, $0xb8;
	[tilespmem:$0x1C040] =	vst v63  }
0x37: {  	s29 =	simm.s32 $0x5000  }
0x38: {  	[spmem:s2] =	stream.indirect.scatter.add.f32 [tilespmem:s12], [sflag:$0x3], $0x80, s29, s15, $0xb8;
	[tilespmem:$0x1C040] =	vst v63  }
0x39: {  	_ =	swait.ge [sflag:s13], $0x4000  }
0x3a: {  	[sflag:s13] =	ssyncset.done $0x0  }
0x3b: {  	[sflag:s13] =	ssyncadd.s32 $0xFFFFC000  }
0x3c: {  	_ =	swait.ge [sflag:s18], $0x4000  }
0x3d: {  	[sflag:s18] =	ssyncset.done $0x0  }
0x3e: {  	s30 =	simm.s32 $0x100;
	[sflag:s18] =	ssyncadd.s32 $0xFFFFC000  }
0x3f: {  	[tilespmem:s12], [sflag:$0x1] =	stream.indirect.gather [hbm4b:s4+s15], $0x80, s30, s15, $0xb8;
	[tilespmem:$0x1C040] =	vst v63  }
0x40: {  	s31 =	simm.s32 $0x5080  }
0x41: {  	[spmem:s2] =	stream.indirect.scatter.add.f32 [tilespmem:s17], [sflag:$0x3], $0x80, s31, s15, $0xb8;
	[tilespmem:$0x1C040] =	vst v63  }
0x42: {  	_ =	swait.ge [sflag:s13], $0x4000  }
0x43: {  	s23 =	simm.s32 $0x400;
	[sflag:s13] =	ssyncset.done $0x0  }
.LBB2_4:
0x44: {  	p0 =	sne.s32 s23, $0x13800  }
0x45: {  	[sflag:s13] =	ssyncadd.s32 $0xFFFFC000;
	s24 =	smov.u32 s23;
	s23 =	sadd.s32 $0x400, s23  }
0x46: {  	_ = 	snop  }
0x47: {  	_ =	swait.ge [sflag:s16], $0x4000  }
0x48: {  	s24 =	sshra.s32 s24, $0x2;
	[sflag:s16] =	ssyncset.done $0x0  }
0x49: {  	s25 =	sadd.s32 $0x80, s24;
	[sflag:s16] =	ssyncadd.s32 $0xFFFFC000  }
0x4a: {  	[tilespmem:s17], [sflag:$0x2] =	stream.indirect.gather [hbm4b:s4+s15], $0x80, s25, s15, $0xb8;
	[tilespmem:$0x1C040] =	vst v63  }
0x4b: {  	s25 =	sadd.s32 $0x5000, s24  }
0x4c: {  	[spmem:s2] =	stream.indirect.scatter.add.f32 [tilespmem:s12], [sflag:$0x3], $0x80, s25, s15, $0xb8;
	[tilespmem:$0x1C040] =	vst v63  }
0x4d: {  	_ =	swait.ge [sflag:s13], $0x4000  }
0x4e: {  	[sflag:s13] =	ssyncset.done $0x0  }
0x4f: {  	[sflag:s13] =	ssyncadd.s32 $0xFFFFC000  }
0x50: {  	_ =	swait.ge [sflag:s18], $0x4000  }
0x51: {  	[sflag:s18] =	ssyncset.done $0x0  }
0x52: {  	s25 =	sadd.s32 $0x100, s24;
	[sflag:s18] =	ssyncadd.s32 $0xFFFFC000  }
0x53: {  	[tilespmem:s12], [sflag:$0x1] =	stream.indirect.gather [hbm4b:s4+s15], $0x80, s25, s15, $0xb8;
	[tilespmem:$0x1C040] =	vst v63  }
.Ltmp1:
0x54: {  	_ = 	snop;
	(pc) =	sbr.rel @p0 .LBB2_4-.Ltmp1, $4  }
0x55: {  	s24 =	sadd.s32 $0x5080, s24  }
0x56: {  	[spmem:s2] =	stream.indirect.scatter.add.f32 [tilespmem:s17], [sflag:$0x3], $0x80, s24, s15, $0xb8;
	[tilespmem:$0x1C040] =	vst v63  }
0x57: {  	_ =	swait.ge [sflag:s13], $0x4000  }
0x58: {  	[sflag:s13] =	ssyncset.done $0x0  }
0x59: {  	[sflag:s13] =	ssyncadd.s32 $0xFFFFC000  }
0x5a: {  	_ =	swait.ge [sflag:s16], $0x4000  }
0x5b: {  	[sflag:s16] =	ssyncset.done $0x0  }
0x5c: {  	[sflag:s16] =	ssyncadd.s32 $0xFFFFC000  }
0x5d: {  	[tilespmem:s17], [sflag:$0x2] =	stream.indirect.gather [hbm4b:s4+s15], $0x80, s19, s15, $0xb8;
	[tilespmem:$0x1C040] =	vst v63  }
0x5e: {  	_ = 	snop  }
0x5f: {  	[spmem:s2] =	stream.indirect.scatter.add.f32 [tilespmem:s12], [sflag:$0x3], $0x80, s20, s15, $0xb8;
	[tilespmem:$0x1C040] =	vst v63  }
0x60: {  	_ =	swait.ge [sflag:s13], $0x4000  }
0x61: {  	[sflag:s13] =	ssyncset.done $0x0  }
0x62: {  	[sflag:s13] =	ssyncadd.s32 $0xFFFFC000  }
0x63: {  	_ =	swait.ge [sflag:s18], $0x4000  }
0x64: {  	[sflag:s18] =	ssyncset.done $0x0  }
0x65: {  	[sflag:s18] =	ssyncadd.s32 $0xFFFFC000  }
0x66: {  	[spmem:s2] =	stream.indirect.scatter.add.f32 [tilespmem:s17], [sflag:$0x3], $0x80, s21, s15, $0xb8;
	[tilespmem:$0x1C040] =	vst v63  }
0x67: {  	_ =	swait.ge [sflag:s13], $0x4000  }
0x68: {  	s23 =	sshll.u32 s1, $0x6;
	s22 =	sadd.s32 $0x1, s22;
	[sflag:s13] =	ssyncset.done $0x0  }
0x69: {  	s24 =	sshrl.u32 s5, $0x3;
	p0 =	sne.s32 s22, s11;
	[sflag:s13] =	ssyncadd.s32 $0xFFFFC000  }
.Ltmp2:
0x6a: {  	s23 =	sor.u32 $0x1C03, s23;
	[bflag:$0x0] =	sbarrier.arrive $0xFFFF;
	(pc) =	sbr.rel @p0 .LBB2_1-.Ltmp2, $4  }
0x6b: {  	[hbm:s10], [sflag:s23] =	dma.local [spmem:s24], $0x1400  }
0x6c: {  	_ =	swait.ge [sflag:s13], $0x1400  }
0x6d: {  	[sflag:s13] =	ssyncset.done $0x0  }
0x6e: {  	[sflag:s13] =	ssyncadd.s32 $0xFFFFEC00  }
0x6f: {  	_ =	sfence.sel $0x180000  }
0x70: {  	[bflag:$0x0] =	sbarrier.arrive $0xFFFF  }
0x71: {  	p0 =	sne.s32 s1, $0x0;
	_ =	strace $0x9000004A  }
0x72: {  	s0 =	sadd.s32 @!p0 $0x100000, s0;
	[bflag:$0x2] =	sbarrier.arrive $0xFFFF  }
0x73: {  	[sflag:s0] =	ssyncadd.tile.s32 @!p0 $0x1;
	_ =	shalt  }
.Lfunc_end2:
_tile_overlayer_lowered:
.L_overlay_start_2:
0x74: {  	(tag) =	ssettag $0x2  }
0x75: {  	s0 =	rddreg [dreg:$0x0];
	s2 =	stileid.u32  }
0x76: {  	s1 =	rddreg [dreg:$0x1];
	p0 =	sne.s32 s2, $0x0  }
0x77: {  	s3 =	rddreg [dreg:$0x2];
	[bflag:$0x3] =	sbarrier.arrive $0xFFFF;
	s2 =	simm.s32 @!p0 $0x1C03  }
0x78: {  	[timem:s3], [sflag:s2] =	dma.local @!p0 [hbm:s0], s1  }
0x79: {  	s0 =	simm.s32 @!p0 $0x3  }
0x7a: {  	_ =	swait.ge @!p0 [sflag:s0], s1  }
0x7b: {  	s1 =	ssub.s32 @!p0 $0x0, s1;
	[sflag:s0] =	ssyncset.done @!p0 $0x0  }
0x7c: {  	[sflag:s0] =	ssyncadd.s32 @!p0 s1  }
0x7d: {  	[bflag:$0x3] =	sbarrier.arrive $0xFFFF  }
0x7e: {  	_ =	shalt  }

// kernel: kernel.14.cloned.1.call-start
scs
__scs_entry_jumppad:
0x0: {  	(pc) =	sbr.rel $0x88, $3  }
0x1: {  	(tag) =	ssettag $0x0;
	lr =	simm.s32 $0x1  }
0x2: {  	[smem:$0x3F99] =	sst lr;
	_ =	strace $0xD0000000  }
0x3: {  	_ = 	snop  }
0x4: {  	_ = 	snop  }
0x5: {  	_ = 	snop  }
0x6: {  	_ = 	snop  }
0x7: {  	_ = 	snop  }
__scs_overlays_trampoline_lowered:
0x8: {  	[smem:$0x3FA8] =	sst s0  }
0x9: {  	[smem:$0x3FA9] =	sst s1  }
0xa: {  	[smem:$0x3FAA] =	sst s2  }
0xb: {  	[smem:$0x3FAB] =	sst s3  }
0xc: {  	[smem:$0x3FAC] =	sst s4  }
0xd: {  	[smem:$0x3FAD] =	sst s5  }
0xe: {  	[smem:$0x3FAE] =	sst s6  }
0xf: {  	[smem:$0x3FAF] =	sst s7  }
0x10: {  	[smem:$0x3FB0] =	sst s8  }
0x11: {  	[smem:$0x3FB1] =	sst s9;
	s0 =	simm.s32 @!p0 $0x0  }
0x12: {  	s1 =	sld [smem:$0x3F97];
	s0 =	simm.s32 @p0 $0x1  }
0x13: {  	[smem:$0x3FB2] =	sst s0;
	s0 =	simm.s32 @!p1 $0x0  }
0x14: {  	s2 =	sld [smem:$0x3F96];
	s0 =	simm.s32 @p1 $0x1  }
0x15: {  	[smem:$0x3FB3] =	sst s0;
	s0 =	simm.s32 @!p2 $0x0  }
0x16: {  	s3 =	sld [smem:$0x3FDB];
	s0 =	simm.s32 @p2 $0x1  }
0x17: {  	s4 =	simm.s32 $0x1BF5;
	[smem:$0x3FB5] =	sst s0  }
0x18: {  	s0 =	sld [smem:$0x3F98];
	_ =	swait.ge [sflag:s4], $0x0  }
0x19: {  	s7 =	sld [smem:$0x3F99]  }
0x1a: {  	s8 =	sadd.s32 $0xFFFFE003, lr  }
0x1b: {  	s9 =	sadd.s32 $0xFFFFFEF7, lr;
	s5 =	simm.s32 $0xFFFFFFFF;
	p2 =	slt.u32 s8, $0xFFFFF086  }
0x1c: {  	p1 =	slt.u32 s9, $0xF7A;
	s5 =	simm.s32 @!p2 $0x0  }
0x1d: {  	s5 =	simm.s32 @p1 $0x1;
	p0 =	seq.s32 s7, s2  }
0x1e: {  	s7 =	smul.u32 @!p0 $0xF7A, s2;
	p2 =	seq.s32 @!p0 s5, $0x0  }
0x1f: {  	s9 =	smul.u32 $0xF7A, s1;
	s8 =	simm.s32 @!p0 $0x1BF5;
	p2 =	por !p2, p0  }
0x20: {  	[sflag:s8] =	ssyncset.s32 @!p0 $0xFFFFF086;
	s6 =	sadd.s32 @!p0 s3, s7;
	s7 =	simm.s32 @!p0 $0x108  }
0x21: {  	s3 =	sadd.s32 s3, s9;
	s6 =	sadd.s32 @!p0 $0x88, s6;
	s7 =	simm.s32 @p2 $0x1082  }
0x22: {  	[simem:s7], [sflag:s8] =	dma.local @!p0 [hbm:s6], $0xF7A  }
0x23: {  	s9 =	sor.u32 $0xD0000000, s2;
	s6 =	simm.s32 $0x108;
	_ =	swait.ge @!p0 [sflag:s8], $0x0  }
0x24: {  	s3 =	sadd.s32 $0x88, s3;
	s6 =	simm.s32 @!p1 $0x1082;
	[sflag:s4] =	ssyncset.s32 $0xFFFFF086  }
0x25: {  	[simem:s6], [sflag:s4] =	dma.local [hbm:s3], $0xF7A  }
0x26: {  	[smem:$0x3F99] =	sst s1;
	(tag) =	ssettag s2;
	_ =	strace s9  }
0x27: {  	s1 =	sld [smem:$0x3FA9]  }
0x28: {  	s2 =	sld [smem:$0x3FAA]  }
0x29: {  	s4 =	sld [smem:$0x3FAC]  }
0x2a: {  	p0 =	seq.s32 s5, $0x0;
	s5 =	sld [smem:$0x3FAD]  }
0x2b: {  	s6 =	sld [smem:$0x3FAE]  }
0x2c: {  	s7 =	sld [smem:$0x3FAF]  }
0x2d: {  	s3 =	simm.s32 $0x108;
	s8 =	sld [smem:$0x3FB0]  }
0x2e: {  	s3 =	simm.s32 @!p0 $0x1082;
	s9 =	sld [smem:$0x3FB1]  }
0x2f: {  	lr =	sadd.s32 s0, s3;
	s0 =	sld [smem:$0x3FA8]  }
0x30: {  	s3 =	sld [smem:$0x3FAB]  }
0x31: {  	[smem:$0x3FB4] =	sst s10  }
0x32: {  	s10 =	sld [smem:$0x3FB2];
	_ =	sdelay $0x3  }
0x33: {  	p0 =	seq.s32 s10, $0x1;
	s10 =	sld [smem:$0x3FB4];
	_ =	sdelay $0x3  }
0x34: {  	[smem:$0x3FB4] =	sst s10  }
0x35: {  	s10 =	sld [smem:$0x3FB3];
	_ =	sdelay $0x3  }
0x36: {  	p1 =	seq.s32 s10, $0x1;
	s10 =	sld [smem:$0x3FB4];
	_ =	sdelay $0x3  }
0x37: {  	[smem:$0x3FB4] =	sst s10  }
0x38: {  	s10 =	sld [smem:$0x3FB5]  }
0x39: {  	_ = 	snop;
	(pc) =	sbr.ind lr, $3  }
0x3a: {  	_ = 	snop  }
0x3b: {  	_ = 	snop  }
0x3c: {  	p2 =	seq.s32 s10, $0x1;
	s10 =	sld [smem:$0x3FB4]  }
0x3d: {  	_ =	shalt  }
0x3e: {  	_ =	shalt  }
0x3f: {  	_ =	shalt  }
0x40: {  	_ =	shalt  }
0x41: {  	_ =	shalt  }
0x42: {  	_ =	shalt  }
0x43: {  	_ =	shalt  }
0x44: {  	_ =	shalt  }
0x45: {  	_ =	shalt  }
0x46: {  	_ =	shalt  }
0x47: {  	_ =	shalt  }
0x48: {  	_ =	shalt  }
0x49: {  	_ =	shalt  }
0x4a: {  	_ =	shalt  }
0x4b: {  	_ =	shalt  }
0x4c: {  	_ =	shalt  }
0x4d: {  	_ =	shalt  }
0x4e: {  	_ =	shalt  }
0x4f: {  	_ =	shalt  }
0x50: {  	_ =	shalt  }
0x51: {  	_ =	shalt  }
0x52: {  	_ =	shalt  }
0x53: {  	_ =	shalt  }
0x54: {  	_ =	shalt  }
0x55: {  	_ =	shalt  }
0x56: {  	_ =	shalt  }
0x57: {  	_ =	shalt  }
0x58: {  	_ =	shalt  }
0x59: {  	_ =	shalt  }
0x5a: {  	_ =	shalt  }
0x5b: {  	_ =	shalt  }
0x5c: {  	_ =	shalt  }
0x5d: {  	_ =	shalt  }
0x5e: {  	_ =	shalt  }
0x5f: {  	_ =	shalt  }
0x60: {  	_ =	shalt  }
0x61: {  	_ =	shalt  }
0x62: {  	_ =	shalt  }
0x63: {  	_ =	shalt  }
0x64: {  	_ =	shalt  }
0x65: {  	_ =	shalt  }
0x66: {  	_ =	shalt  }
0x67: {  	_ =	shalt  }
0x68: {  	_ =	shalt  }
0x69: {  	_ =	shalt  }
0x6a: {  	_ =	shalt  }
0x6b: {  	_ =	shalt  }
0x6c: {  	_ =	shalt  }
0x6d: {  	_ =	shalt  }
0x6e: {  	_ =	shalt  }
0x6f: {  	_ =	shalt  }
0x70: {  	_ =	shalt  }
0x71: {  	_ =	shalt  }
0x72: {  	_ =	shalt  }
0x73: {  	_ =	shalt  }
0x74: {  	_ =	shalt  }
0x75: {  	_ =	shalt  }
0x76: {  	_ =	shalt  }
0x77: {  	_ =	shalt  }
0x78: {  	_ =	shalt  }
0x79: {  	_ =	shalt  }
0x7a: {  	_ =	shalt  }
0x7b: {  	_ =	shalt  }
0x7c: {  	_ =	shalt  }
0x7d: {  	_ =	shalt  }
0x7e: {  	_ =	shalt  }
0x7f: {  	_ =	shalt  }
0x80: {  	_ =	shalt  }
0x81: {  	_ =	shalt  }
0x82: {  	_ =	shalt  }
0x83: {  	_ =	shalt  }
0x84: {  	_ =	shalt  }
0x85: {  	_ =	shalt  }
0x86: {  	_ =	shalt  }
0x87: {  	_ =	shalt  }
.Lfunc_end0:
.L_simem_size_0:
called_computation.2_lowered:
.L_overlay_start_0:
0x88: {  	s2 =	sld [smem:$0x3FD9]  }
0x89: {  	s3 =	sld [smem:$0x3FFE];
	_ =	sdelay $0x1  }
0x8a: {  	s1 =	srdreg.scid  }
0x8b: {  	s0 =	sand.u32 $0x1, s1  }
0x8c: {  	s16 =	sshll.u32 s0, $0xA;
	s2 =	sadd.s32 s3, s2  }
0x8d: {  	s2 =	sadd.s32 s2, s16  }
0x8e: {  	[smem:$0x3FC0] =	sst s2  }
0x8f: {  	_ = 	snop  }
0x90: {  	(tm) =	ssettm $0x1  }
0x91: {  	s17 =	sld [smem:$0x3FFB];
	_ =	sdelay $0x3  }
0x92: {  	_ =	strace s17  }
0x93: {  	s2 =	sld [smem:$0x3FFC];
	_ =	sdelay $0x3  }
0x94: {  	_ =	strace s2  }
0x95: {  	s2 =	sld [smem:$0x3FFD];
	_ =	sdelay $0x3  }
0x96: {  	_ =	strace s2  }
0x97: {  	_ =	strace $0x8FFFFFFF  }
0x98: {  	s18 =	sld [smem:$0x3FDB];
	_ =	sdelay $0x1  }
0x99: {  	s19 =	simm.s32 $_scs_section_size  }
0x9a: {  	s4 =	simm.s32 $_size__tile_overlayer_lowered;
	s5 =	simm.s32 $_tile_overlayer_lowered  }
0x9b: {  	s22 =	simm.s32 $0x1BFF;
	s21 =	sshll.u32 s5, $0x1;
	s2 =	sadd.s32 s19, s18  }
0x9c: {  	s6 =	simm.s32 $0x0;
	s20 =	sshll.u32 s4, $0x1;
	s4 =	sadd.s32 s21, s2  }
0x9d: {  	[timem:s6], [sflag:s22] =	dma.local [hbm:s4], s20  }
0x9e: {  	_ =	swait.ge [sflag:s22], s20  }
0x9f: {  	s3 =	ssub.s32 $0x0, s20;
	[sflag:s22] =	ssyncset.done $0x0  }
0xa0: {  	[sflag:s22] =	ssyncadd.s32 s3;
	_ =	sdelay $0x1  }
0xa1: {  	s23 =	simm.s32 $0x1B8B  }
0xa2: {  	_ =	swait.ge [sflag:s23], $0x1  }
0xa3: {  	[sflag:s23] =	ssyncset.done $0x0  }
0xa4: {  	s25 =	simm.s32 $0x1B8E;
	s24 =	sld [smem:$0x3FFE];
	[sflag:s23] =	ssyncadd.s32 $0xFFFFFFFF  }
0xa5: {  	s26 =	simm.s32 $execute0_lowered;
	[smem:$0x3FD2] =	sst s25  }
0xa6: {  	s4 =	sshll.u32 s26, $0x1;
	_ =	strace $0x8000004C;
	[dreg:$0x1] =	wrdreg $0xFFFFFFFF  }
0xa7: {  	s28 =	simm.s32 $_size_execute0_lowered;
	s2 =	sadd.s32 s2, s4;
	[dreg:$0x0] =	wrdreg $0x0  }
0xa8: {  	s4 =	sshll.u32 s28, $0x1;
	[dreg:$0x2] =	wrdreg s2  }
0xa9: {  	[dreg:$0x3] =	wrdreg s4  }
0xaa: {  	[dreg:$0x4] =	wrdreg $0xC0  }
0xab: {  	_ =	task [dreg:s6], $0x5FFFF  }
0xac: {  	[dreg:$0x1] =	wrdreg $0xFFFFFFFF  }
0xad: {  	[dreg:$0x0] =	wrdreg $0x60  }
0xae: {  	[dreg:$0x2] =	wrdreg s24  }
0xaf: {  	[dreg:$0x3] =	wrdreg $0x120000  }
0xb0: {  	[dreg:$0x4] =	wrdreg $0x9  }
0xb1: {  	_ =	task.clear_ibuf [dreg:s6], $0x5FFFF;
	_ =	strace $0x9000004C  }
0xb2: {  	s29 =	simm.s32 $0x9;
	_ =	strace $0x8000004E  }
0xb3: {  	_ =	swait.ge [sflag:s29], $0x1  }
0xb4: {  	[sflag:s29] =	ssyncadd.s32 $0xFFFFFFFF  }
0xb5: {  	_ =	strace $0x9000004E  }
0xb6: {  	_ =	sfence  }
0xb7: {  	s30 =	sld [smem:$0x0];
	_ =	sdelay $0x2  }
0xb8: {  	s31 =	sshll.u32 s1, $0xD;
	s1 =	sshrl.u32 s1, $0x2  }
0xb9: {  	s3 =	sand.u32 $0x4000, s31;
	s1 =	sadd.s32 s1, s30  }
0xba: {  	s0 =	sor.u32 s3, s0;
	s1 =	sshll.u32 s1, $0x11  }
0xbb: {  	s0 =	sor.u32 s1, s0  }
0xbc: {  	s0 =	sadd.s32 $0x8F2B, s0  }
0xbd: {  	[sflag:s0] =	ssyncadd.remote.s32 $0x1  }
0xbe: {  	_ =	sfence.sel $0xFFFF  }
0xbf: {  	[dreg:$0x0] =	wrdreg $0xFFFFFFFF;
	(pc) =	sbr.abs _section_cstart, $3  }
0xc0: {  	[dreg:$0x1] =	wrdreg $0xFFFFFFFF  }
0xc1: {  	_ =	task.clear_ibuf [dreg:s6], $0x2FFFF;
	_ =	strace $0x9FFFFFFF  }
0xc2: {  	(tm) =	ssettm $0x7FFFFFFF  }
0xc3: {  	_ =	shalt  }
tec
execute0_lowered:
.L_overlay_start_1:
0x0: {  	(tag) =	ssettag $0x1  }
0x1: {  	s5 =	rddreg [dreg:$0x0]  }
0x2: {  	s2 =	rddreg [dreg:$0x1]  }
0x3: {  	s0 =	rddreg [dreg:$0x2]  }
0x4: {  	s1 =	stileid.u32;
	s4 =	srdreg.scid;
	s3 =	simm.s32 $0x0  }
0x5: {  	s14 =	simm.s32 $0x5000;
	s15 =	simm.s32 $0x80;
	s16 =	simm.s32 $0x1  }
0x6: {  	s17 =	simm.s32 $0xE000;
	s18 =	simm.s32 $0x2;
	s6 =	smul.u32 $0x5000, s1  }
0x7: {  	s19 =	simm.s32 $0x4F80;
	s20 =	simm.s32 $0x9F00;
	s10 =	smul.u32 $0xA000, s1  }
0x8: {  	s21 =	simm.s32 $0x9F80;
	s7 =	sand.u32 $0x1, s4;
	s11 =	smul.u32 $0x28000, s1  }
0x9: {  	s22 =	simm.s32 $0x0;
	[smem:$0x7FF] =	sst s3;
	s8 =	smul.u32 $0x50000, s7  }
0xa: {  	s4 =	sadd.s32 $0x21000, s5;
	s9 =	smul.u32 $0xA0000, s7;
	s7 =	ssub.s32 $0x2, s7  }
0xb: {  	_ =	strace $0x8000004D;
	s28 =	sshrl.u32 s11, $0x2;
	s30 =	sshrl.u32 s7, $0x1  }
0xc: {  	s8 =	sadd.s32 s6, s8;
	s6 =	sshrl.u32 s6, $0x3;
	s26 =	sadd.s32 s10, s9  }
0xd: {  	s31 =	ssub.s32 s7, s30;
	s8 =	sshrl.u32 s8, $0x3;
	s12 =	sadd.s32 s6, s5  }
0xe: {  	s6 =	sshrl.u32 s26, $0x3;
	s11 =	smax.u32 s31, $0x1;
	s13 =	sadd.s32 s8, s5  }
0xf: {  	s29 =	sadd.s32 s6, s5;
	s5 =	sadd.s32 s28, s2;
	s8 =	sadd.s32 $0x17000, s12  }
0x10: {  	s12 =	simm.s32 $0xA000;
	s6 =	sadd.s32 $0x4000, s5;
	s7 =	sadd.s32 $0x8000, s5  }
0x11: {  	v0 =	vimm.f32 $0.0e+00;
	s9 =	sadd.s32 $0x2A00, s13;
	s10 =	sadd.s32 $0x49000, s29;
	s13 =	simm.s32 $0x3  }
.LBB2_1:
0x12: {  	s23 =	sand.u32 $0xFE00, s3  }
0x13: {  	s24 =	sand.u32 $0x70, s3;
	s25 =	sshrl.u32 s23, $0x2  }
0x14: {  	s23 =	simm.s32 $0x40;
	s25 =	sor.u32 s24, s25;
	s24 =	simm.s32 $0x0  }
.LBB2_2:
0x15: {  	p0 =	sne.s32 s23, $0xFFC0  }
0x16: {  	[tilespmem:s25+$0xA000] =	vst v0;
	s24 =	sadd.s32 $0x10, s24;
	s25 =	smov.u32 s23;
	s23 =	sadd.s32 $0x40, s23  }
.Ltmp0:
0x17: {  	(pc) =	sbr.rel @p0 .LBB2_2-.Ltmp0, $4  }
0x18: {  	_ = 	snop  }
0x19: {  	s25 =	sand.u32 $0xFE00, s25  }
0x1a: {  	s26 =	sand.u32 $0x70, s24;
	s25 =	sshrl.u32 s25, $0x2  }
0x1b: {  	s25 =	sor.u32 s26, s25  }
0x1c: {  	[tilespmem:s25+$0xA000] =	vst v0  }
0x1d: {  	[spmem:s5] =	stream.linear.scatter [tilespmem:s12], [sflag:$0x3], $0x4000, $0x38;
	[tilespmem:$0x1C040] =	vst v63  }
0x1e: {  	_ =	swait.ge [sflag:s13], $0x4000  }
0x1f: {  	[sflag:s13] =	ssyncset.done $0x0  }
0x20: {  	[sflag:s13] =	ssyncadd.s32 $0xFFFFC000  }
0x21: {  	[spmem:s6] =	stream.linear.scatter [tilespmem:s12], [sflag:$0x3], $0x4000, $0x38;
	[tilespmem:$0x1C040] =	vst v63  }
0x22: {  	_ =	swait.ge [sflag:s13], $0x4000  }
0x23: {  	[sflag:s13] =	ssyncset.done $0x0  }
0x24: {  	[sflag:s13] =	ssyncadd.s32 $0xFFFFC000  }
0x25: {  	[spmem:s7] =	stream.linear.scatter [tilespmem:s12], [sflag:$0x3], $0x2000, $0x38;
	[tilespmem:$0x1C040] =	vst v63  }
0x26: {  	_ =	swait.ge [sflag:s13], $0x2000  }
0x27: {  	[sflag:s13] =	ssyncset.done $0x0  }
0x28: {  	[sflag:s13] =	ssyncadd.s32 $0xFFFFE000  }
0x29: {  	s23 =	simm.s32 $0x0;
	[bflag:$0x0] =	sbarrier.arrive $0xFFFF  }
0x2a: {  	[tilespmem:s23], [sflag:$0x3] =	stream.linear.gather [hbm4b:s8+s23], $0x5000, $0x38;
	[tilespmem:$0x1C040] =	vst v63  }
0x2b: {  	_ =	swait.ge [sflag:s13], $0x5000  }
0x2c: {  	[sflag:s13] =	ssyncset.done $0x0  }
0x2d: {  	[sflag:s13] =	ssyncadd.s32 $0xFFFFB000  }
0x2e: {  	[tilespmem:s14], [sflag:$0x3] =	stream.linear.gather [hbm4b:s9+s23], $0x5000, $0x38;
	[tilespmem:$0x1C040] =	vst v63  }
0x2f: {  	_ =	swait.ge [sflag:s13], $0x5000  }
0x30: {  	[sflag:s13] =	ssyncset.done $0x0  }
0x31: {  	[sflag:s13] =	ssyncadd.s32 $0xFFFFB000  }
0x32: {  	[tilespmem:s12], [sflag:$0x1] =	stream.indirect.gather [hbm4b:s4+s15], $0x80, s23, s15, $0xb8;
	[tilespmem:$0x1C040] =	vst v63  }
0x33: {  	_ =	swait.ge [sflag:s16], $0x4000  }
0x34: {  	[sflag:s16] =	ssyncset.done $0x0  }
0x35: {  	s28 =	simm.s32 $0x80;
	[sflag:s16] =	ssyncadd.s32 $0xFFFFC000  }
0x36: {  	[tilespmem:s17], [sflag:$0x2] =	stream.indirect.gather [hbm4b:s4+s15], $0x80, s28, s15, $0xb8;
	[tilespmem:$0x1C040] =	vst v63  }
0x37: {  	s29 =	simm.s32 $0x5000  }
0x38: {  	[spmem:s2] =	stream.indirect.scatter.add.f32 [tilespmem:s12], [sflag:$0x3], $0x80, s29, s15, $0xb8;
	[tilespmem:$0x1C040] =	vst v63  }
0x39: {  	_ =	swait.ge [sflag:s13], $0x4000  }
0x3a: {  	[sflag:s13] =	ssyncset.done $0x0  }
0x3b: {  	[sflag:s13] =	ssyncadd.s32 $0xFFFFC000  }
0x3c: {  	_ =	swait.ge [sflag:s18], $0x4000  }
0x3d: {  	[sflag:s18] =	ssyncset.done $0x0  }
0x3e: {  	s30 =	simm.s32 $0x100;
	[sflag:s18] =	ssyncadd.s32 $0xFFFFC000  }
0x3f: {  	[tilespmem:s12], [sflag:$0x1] =	stream.indirect.gather [hbm4b:s4+s15], $0x80, s30, s15, $0xb8;
	[tilespmem:$0x1C040] =	vst v63  }
0x40: {  	s31 =	simm.s32 $0x5080  }
0x41: {  	[spmem:s2] =	stream.indirect.scatter.add.f32 [tilespmem:s17], [sflag:$0x3], $0x80, s31, s15, $0xb8;
	[tilespmem:$0x1C040] =	vst v63  }
0x42: {  	_ =	swait.ge [sflag:s13], $0x4000  }
0x43: {  	s23 =	simm.s32 $0x400;
	[sflag:s13] =	ssyncset.done $0x0  }
.LBB2_4:
0x44: {  	p0 =	sne.s32 s23, $0x13800  }
0x45: {  	[sflag:s13] =	ssyncadd.s32 $0xFFFFC000;
	s24 =	smov.u32 s23;
	s23 =	sadd.s32 $0x400, s23  }
0x46: {  	_ = 	snop  }
0x47: {  	_ =	swait.ge [sflag:s16], $0x4000  }
0x48: {  	s24 =	sshra.s32 s24, $0x2;
	[sflag:s16] =	ssyncset.done $0x0  }
0x49: {  	s25 =	sadd.s32 $0x80, s24;
	[sflag:s16] =	ssyncadd.s32 $0xFFFFC000  }
0x4a: {  	[tilespmem:s17], [sflag:$0x2] =	stream.indirect.gather [hbm4b:s4+s15], $0x80, s25, s15, $0xb8;
	[tilespmem:$0x1C040] =	vst v63  }
0x4b: {  	s25 =	sadd.s32 $0x5000, s24  }
0x4c: {  	[spmem:s2] =	stream.indirect.scatter.add.f32 [tilespmem:s12], [sflag:$0x3], $0x80, s25, s15, $0xb8;
	[tilespmem:$0x1C040] =	vst v63  }
0x4d: {  	_ =	swait.ge [sflag:s13], $0x4000  }
0x4e: {  	[sflag:s13] =	ssyncset.done $0x0  }
0x4f: {  	[sflag:s13] =	ssyncadd.s32 $0xFFFFC000  }
0x50: {  	_ =	swait.ge [sflag:s18], $0x4000  }
0x51: {  	[sflag:s18] =	ssyncset.done $0x0  }
0x52: {  	s25 =	sadd.s32 $0x100, s24;
	[sflag:s18] =	ssyncadd.s32 $0xFFFFC000  }
0x53: {  	[tilespmem:s12], [sflag:$0x1] =	stream.indirect.gather [hbm4b:s4+s15], $0x80, s25, s15, $0xb8;
	[tilespmem:$0x1C040] =	vst v63  }
.Ltmp1:
0x54: {  	_ = 	snop;
	(pc) =	sbr.rel @p0 .LBB2_4-.Ltmp1, $4  }
0x55: {  	s24 =	sadd.s32 $0x5080, s24  }
0x56: {  	[spmem:s2] =	stream.indirect.scatter.add.f32 [tilespmem:s17], [sflag:$0x3], $0x80, s24, s15, $0xb8;
	[tilespmem:$0x1C040] =	vst v63  }
0x57: {  	_ =	swait.ge [sflag:s13], $0x4000  }
0x58: {  	[sflag:s13] =	ssyncset.done $0x0  }
0x59: {  	[sflag:s13] =	ssyncadd.s32 $0xFFFFC000  }
0x5a: {  	_ =	swait.ge [sflag:s16], $0x4000  }
0x5b: {  	[sflag:s16] =	ssyncset.done $0x0  }
0x5c: {  	[sflag:s16] =	ssyncadd.s32 $0xFFFFC000  }
0x5d: {  	[tilespmem:s17], [sflag:$0x2] =	stream.indirect.gather [hbm4b:s4+s15], $0x80, s19, s15, $0xb8;
	[tilespmem:$0x1C040] =	vst v63  }
0x5e: {  	_ = 	snop  }
0x5f: {  	[spmem:s2] =	stream.indirect.scatter.add.f32 [tilespmem:s12], [sflag:$0x3], $0x80, s20, s15, $0xb8;
	[tilespmem:$0x1C040] =	vst v63  }
0x60: {  	_ =	swait.ge [sflag:s13], $0x4000  }
0x61: {  	[sflag:s13] =	ssyncset.done $0x0  }
0x62: {  	[sflag:s13] =	ssyncadd.s32 $0xFFFFC000  }
0x63: {  	_ =	swait.ge [sflag:s18], $0x4000  }
0x64: {  	[sflag:s18] =	ssyncset.done $0x0  }
0x65: {  	[sflag:s18] =	ssyncadd.s32 $0xFFFFC000  }
0x66: {  	[spmem:s2] =	stream.indirect.scatter.add.f32 [tilespmem:s17], [sflag:$0x3], $0x80, s21, s15, $0xb8;
	[tilespmem:$0x1C040] =	vst v63  }
0x67: {  	_ =	swait.ge [sflag:s13], $0x4000  }
0x68: {  	s23 =	sshll.u32 s1, $0x6;
	s22 =	sadd.s32 $0x1, s22;
	[sflag:s13] =	ssyncset.done $0x0  }
0x69: {  	s24 =	sshrl.u32 s5, $0x3;
	p0 =	sne.s32 s22, s11;
	[sflag:s13] =	ssyncadd.s32 $0xFFFFC000  }
.Ltmp2:
0x6a: {  	s23 =	sor.u32 $0x1C03, s23;
	[bflag:$0x0] =	sbarrier.arrive $0xFFFF;
	(pc) =	sbr.rel @p0 .LBB2_1-.Ltmp2, $4  }
0x6b: {  	[hbm:s10], [sflag:s23] =	dma.local [spmem:s24], $0x1400  }
0x6c: {  	_ =	swait.ge [sflag:s13], $0x1400  }
0x6d: {  	[sflag:s13] =	ssyncset.done $0x0  }
0x6e: {  	[sflag:s13] =	ssyncadd.s32 $0xFFFFEC00  }
0x6f: {  	_ =	sfence.sel $0x180000  }
0x70: {  	[bflag:$0x0] =	sbarrier.arrive $0xFFFF  }
0x71: {  	p0 =	sne.s32 s1, $0x0;
	_ =	strace $0x9000004D  }
0x72: {  	s0 =	sadd.s32 @!p0 $0x100000, s0;
	[bflag:$0x2] =	sbarrier.arrive $0xFFFF  }
0x73: {  	[sflag:s0] =	ssyncadd.tile.s32 @!p0 $0x1;
	_ =	shalt  }
.Lfunc_end2:
_tile_overlayer_lowered:
.L_overlay_start_2:
0x74: {  	(tag) =	ssettag $0x2  }
0x75: {  	s0 =	rddreg [dreg:$0x0];
	s2 =	stileid.u32  }
0x76: {  	s1 =	rddreg [dreg:$0x1];
	p0 =	sne.s32 s2, $0x0  }
0x77: {  	s3 =	rddreg [dreg:$0x2];
	[bflag:$0x3] =	sbarrier.arrive $0xFFFF;
	s2 =	simm.s32 @!p0 $0x1C03  }
0x78: {  	[timem:s3], [sflag:s2] =	dma.local @!p0 [hbm:s0], s1  }
0x79: {  	s0 =	simm.s32 @!p0 $0x3  }
0x7a: {  	_ =	swait.ge @!p0 [sflag:s0], s1  }
0x7b: {  	s1 =	ssub.s32 @!p0 $0x0, s1;
	[sflag:s0] =	ssyncset.done @!p0 $0x0  }
0x7c: {  	[sflag:s0] =	ssyncadd.s32 @!p0 s1  }
0x7d: {  	[bflag:$0x3] =	sbarrier.arrive $0xFFFF  }
0x7e: {  	_ =	shalt  }

// kernel: kernel.8.cloned.1.call-start
scs
__scs_entry_jumppad:
0x0: {  	(pc) =	sbr.rel $0x88, $3  }
0x1: {  	(tag) =	ssettag $0x0;
	lr =	simm.s32 $0x1  }
0x2: {  	[smem:$0x3F99] =	sst lr;
	_ =	strace $0xD0000000  }
0x3: {  	_ = 	snop  }
0x4: {  	_ = 	snop  }
0x5: {  	_ = 	snop  }
0x6: {  	_ = 	snop  }
0x7: {  	_ = 	snop  }
__scs_overlays_trampoline_lowered:
0x8: {  	[smem:$0x3FA8] =	sst s0  }
0x9: {  	[smem:$0x3FA9] =	sst s1  }
0xa: {  	[smem:$0x3FAA] =	sst s2  }
0xb: {  	[smem:$0x3FAB] =	sst s3  }
0xc: {  	[smem:$0x3FAC] =	sst s4  }
0xd: {  	[smem:$0x3FAD] =	sst s5  }
0xe: {  	[smem:$0x3FAE] =	sst s6  }
0xf: {  	[smem:$0x3FAF] =	sst s7  }
0x10: {  	[smem:$0x3FB0] =	sst s8  }
0x11: {  	[smem:$0x3FB1] =	sst s9;
	s0 =	simm.s32 @!p0 $0x0  }
0x12: {  	s1 =	sld [smem:$0x3F97];
	s0 =	simm.s32 @p0 $0x1  }
0x13: {  	[smem:$0x3FB2] =	sst s0;
	s0 =	simm.s32 @!p1 $0x0  }
0x14: {  	s2 =	sld [smem:$0x3F96];
	s0 =	simm.s32 @p1 $0x1  }
0x15: {  	[smem:$0x3FB3] =	sst s0;
	s0 =	simm.s32 @!p2 $0x0  }
0x16: {  	s3 =	sld [smem:$0x3FDB];
	s0 =	simm.s32 @p2 $0x1  }
0x17: {  	s4 =	simm.s32 $0x1BF5;
	[smem:$0x3FB5] =	sst s0  }
0x18: {  	s0 =	sld [smem:$0x3F98];
	_ =	swait.ge [sflag:s4], $0x0  }
0x19: {  	s7 =	sld [smem:$0x3F99]  }
0x1a: {  	s8 =	sadd.s32 $0xFFFFE003, lr  }
0x1b: {  	s9 =	sadd.s32 $0xFFFFFEF7, lr;
	s5 =	simm.s32 $0xFFFFFFFF;
	p2 =	slt.u32 s8, $0xFFFFF086  }
0x1c: {  	p1 =	slt.u32 s9, $0xF7A;
	s5 =	simm.s32 @!p2 $0x0  }
0x1d: {  	s5 =	simm.s32 @p1 $0x1;
	p0 =	seq.s32 s7, s2  }
0x1e: {  	s7 =	smul.u32 @!p0 $0xF7A, s2;
	p2 =	seq.s32 @!p0 s5, $0x0  }
0x1f: {  	s9 =	smul.u32 $0xF7A, s1;
	s8 =	simm.s32 @!p0 $0x1BF5;
	p2 =	por !p2, p0  }
0x20: {  	[sflag:s8] =	ssyncset.s32 @!p0 $0xFFFFF086;
	s6 =	sadd.s32 @!p0 s3, s7;
	s7 =	simm.s32 @!p0 $0x108  }
0x21: {  	s3 =	sadd.s32 s3, s9;
	s6 =	sadd.s32 @!p0 $0x88, s6;
	s7 =	simm.s32 @p2 $0x1082  }
0x22: {  	[simem:s7], [sflag:s8] =	dma.local @!p0 [hbm:s6], $0xF7A  }
0x23: {  	s9 =	sor.u32 $0xD0000000, s2;
	s6 =	simm.s32 $0x108;
	_ =	swait.ge @!p0 [sflag:s8], $0x0  }
0x24: {  	s3 =	sadd.s32 $0x88, s3;
	s6 =	simm.s32 @!p1 $0x1082;
	[sflag:s4] =	ssyncset.s32 $0xFFFFF086  }
0x25: {  	[simem:s6], [sflag:s4] =	dma.local [hbm:s3], $0xF7A  }
0x26: {  	[smem:$0x3F99] =	sst s1;
	(tag) =	ssettag s2;
	_ =	strace s9  }
0x27: {  	s1 =	sld [smem:$0x3FA9]  }
0x28: {  	s2 =	sld [smem:$0x3FAA]  }
0x29: {  	s4 =	sld [smem:$0x3FAC]  }
0x2a: {  	p0 =	seq.s32 s5, $0x0;
	s5 =	sld [smem:$0x3FAD]  }
0x2b: {  	s6 =	sld [smem:$0x3FAE]  }
0x2c: {  	s7 =	sld [smem:$0x3FAF]  }
0x2d: {  	s3 =	simm.s32 $0x108;
	s8 =	sld [smem:$0x3FB0]  }
0x2e: {  	s3 =	simm.s32 @!p0 $0x1082;
	s9 =	sld [smem:$0x3FB1]  }
0x2f: {  	lr =	sadd.s32 s0, s3;
	s0 =	sld [smem:$0x3FA8]  }
0x30: {  	s3 =	sld [smem:$0x3FAB]  }
0x31: {  	[smem:$0x3FB4] =	sst s10  }
0x32: {  	s10 =	sld [smem:$0x3FB2];
	_ =	sdelay $0x3  }
0x33: {  	p0 =	seq.s32 s10, $0x1;
	s10 =	sld [smem:$0x3FB4];
	_ =	sdelay $0x3  }
0x34: {  	[smem:$0x3FB4] =	sst s10  }
0x35: {  	s10 =	sld [smem:$0x3FB3];
	_ =	sdelay $0x3  }
0x36: {  	p1 =	seq.s32 s10, $0x1;
	s10 =	sld [smem:$0x3FB4];
	_ =	sdelay $0x3  }
0x37: {  	[smem:$0x3FB4] =	sst s10  }
0x38: {  	s10 =	sld [smem:$0x3FB5]  }
0x39: {  	_ = 	snop;
	(pc) =	sbr.ind lr, $3  }
0x3a: {  	_ = 	snop  }
0x3b: {  	_ = 	snop  }
0x3c: {  	p2 =	seq.s32 s10, $0x1;
	s10 =	sld [smem:$0x3FB4]  }
0x3d: {  	_ =	shalt  }
0x3e: {  	_ =	shalt  }
0x3f: {  	_ =	shalt  }
0x40: {  	_ =	shalt  }
0x41: {  	_ =	shalt  }
0x42: {  	_ =	shalt  }
0x43: {  	_ =	shalt  }
0x44: {  	_ =	shalt  }
0x45: {  	_ =	shalt  }
0x46: {  	_ =	shalt  }
0x47: {  	_ =	shalt  }
0x48: {  	_ =	shalt  }
0x49: {  	_ =	shalt  }
0x4a: {  	_ =	shalt  }
0x4b: {  	_ =	shalt  }
0x4c: {  	_ =	shalt  }
0x4d: {  	_ =	shalt  }
0x4e: {  	_ =	shalt  }
0x4f: {  	_ =	shalt  }
0x50: {  	_ =	shalt  }
0x51: {  	_ =	shalt  }
0x52: {  	_ =	shalt  }
0x53: {  	_ =	shalt  }
0x54: {  	_ =	shalt  }
0x55: {  	_ =	shalt  }
0x56: {  	_ =	shalt  }
0x57: {  	_ =	shalt  }
0x58: {  	_ =	shalt  }
0x59: {  	_ =	shalt  }
0x5a: {  	_ =	shalt  }
0x5b: {  	_ =	shalt  }
0x5c: {  	_ =	shalt  }
0x5d: {  	_ =	shalt  }
0x5e: {  	_ =	shalt  }
0x5f: {  	_ =	shalt  }
0x60: {  	_ =	shalt  }
0x61: {  	_ =	shalt  }
0x62: {  	_ =	shalt  }
0x63: {  	_ =	shalt  }
0x64: {  	_ =	shalt  }
0x65: {  	_ =	shalt  }
0x66: {  	_ =	shalt  }
0x67: {  	_ =	shalt  }
0x68: {  	_ =	shalt  }
0x69: {  	_ =	shalt  }
0x6a: {  	_ =	shalt  }
0x6b: {  	_ =	shalt  }
0x6c: {  	_ =	shalt  }
0x6d: {  	_ =	shalt  }
0x6e: {  	_ =	shalt  }
0x6f: {  	_ =	shalt  }
0x70: {  	_ =	shalt  }
0x71: {  	_ =	shalt  }
0x72: {  	_ =	shalt  }
0x73: {  	_ =	shalt  }
0x74: {  	_ =	shalt  }
0x75: {  	_ =	shalt  }
0x76: {  	_ =	shalt  }
0x77: {  	_ =	shalt  }
0x78: {  	_ =	shalt  }
0x79: {  	_ =	shalt  }
0x7a: {  	_ =	shalt  }
0x7b: {  	_ =	shalt  }
0x7c: {  	_ =	shalt  }
0x7d: {  	_ =	shalt  }
0x7e: {  	_ =	shalt  }
0x7f: {  	_ =	shalt  }
0x80: {  	_ =	shalt  }
0x81: {  	_ =	shalt  }
0x82: {  	_ =	shalt  }
0x83: {  	_ =	shalt  }
0x84: {  	_ =	shalt  }
0x85: {  	_ =	shalt  }
0x86: {  	_ =	shalt  }
0x87: {  	_ =	shalt  }
.Lfunc_end0:
.L_simem_size_0:
called_computation_lowered:
.L_overlay_start_0:
0x88: {  	s2 =	sld [smem:$0x3FD9]  }
0x89: {  	s3 =	sld [smem:$0x3FFE];
	_ =	sdelay $0x1  }
0x8a: {  	s1 =	srdreg.scid  }
0x8b: {  	s0 =	sand.u32 $0x1, s1  }
0x8c: {  	s16 =	sshll.u32 s0, $0xA;
	s2 =	sadd.s32 s3, s2  }
0x8d: {  	s2 =	sadd.s32 s2, s16  }
0x8e: {  	[smem:$0x3FC0] =	sst s2  }
0x8f: {  	_ = 	snop  }
0x90: {  	(tm) =	ssettm $0x1  }
0x91: {  	s17 =	sld [smem:$0x3FFB];
	_ =	sdelay $0x3  }
0x92: {  	_ =	strace s17  }
0x93: {  	s2 =	sld [smem:$0x3FFC];
	_ =	sdelay $0x3  }
0x94: {  	_ =	strace s2  }
0x95: {  	s2 =	sld [smem:$0x3FFD];
	_ =	sdelay $0x3  }
0x96: {  	_ =	strace s2  }
0x97: {  	_ =	strace $0x8FFFFFFF  }
0x98: {  	s18 =	sld [smem:$0x3FDB];
	_ =	sdelay $0x1  }
0x99: {  	s19 =	simm.s32 $_scs_section_size  }
0x9a: {  	s4 =	simm.s32 $_size__tile_overlayer_lowered;
	s5 =	simm.s32 $_tile_overlayer_lowered  }
0x9b: {  	s22 =	simm.s32 $0x1BFF;
	s21 =	sshll.u32 s5, $0x1;
	s2 =	sadd.s32 s19, s18  }
0x9c: {  	s6 =	simm.s32 $0x0;
	s20 =	sshll.u32 s4, $0x1;
	s4 =	sadd.s32 s21, s2  }
0x9d: {  	[timem:s6], [sflag:s22] =	dma.local [hbm:s4], s20  }
0x9e: {  	_ =	swait.ge [sflag:s22], s20  }
0x9f: {  	s3 =	ssub.s32 $0x0, s20;
	[sflag:s22] =	ssyncset.done $0x0  }
0xa0: {  	[sflag:s22] =	ssyncadd.s32 s3;
	_ =	sdelay $0x1  }
0xa1: {  	s23 =	simm.s32 $0x1B8B  }
0xa2: {  	_ =	swait.ge [sflag:s23], $0x1  }
0xa3: {  	[sflag:s23] =	ssyncset.done $0x0  }
0xa4: {  	s25 =	simm.s32 $0x1B8E;
	s24 =	sld [smem:$0x3FFE];
	[sflag:s23] =	ssyncadd.s32 $0xFFFFFFFF  }
0xa5: {  	s26 =	simm.s32 $execute0_lowered;
	[smem:$0x3FD2] =	sst s25  }
0xa6: {  	s4 =	sshll.u32 s26, $0x1;
	_ =	strace $0x80000046;
	[dreg:$0x1] =	wrdreg $0xFFFFFFFF  }
0xa7: {  	s28 =	simm.s32 $_size_execute0_lowered;
	s2 =	sadd.s32 s2, s4;
	[dreg:$0x0] =	wrdreg $0x0  }
0xa8: {  	s4 =	sshll.u32 s28, $0x1;
	[dreg:$0x2] =	wrdreg s2  }
0xa9: {  	[dreg:$0x3] =	wrdreg s4  }
0xaa: {  	[dreg:$0x4] =	wrdreg $0xC0  }
0xab: {  	_ =	task [dreg:s6], $0x5FFFF  }
0xac: {  	[dreg:$0x1] =	wrdreg $0xFFFFFFFF  }
0xad: {  	[dreg:$0x0] =	wrdreg $0x60  }
0xae: {  	[dreg:$0x2] =	wrdreg s24  }
0xaf: {  	[dreg:$0x3] =	wrdreg $0x51400  }
0xb0: {  	[dreg:$0x4] =	wrdreg $0x9  }
0xb1: {  	_ =	task.clear_ibuf [dreg:s6], $0x5FFFF;
	_ =	strace $0x90000046  }
0xb2: {  	s29 =	simm.s32 $0x9;
	_ =	strace $0x80000048  }
0xb3: {  	_ =	swait.ge [sflag:s29], $0x1  }
0xb4: {  	[sflag:s29] =	ssyncadd.s32 $0xFFFFFFFF  }
0xb5: {  	_ =	strace $0x90000048  }
0xb6: {  	_ =	sfence  }
0xb7: {  	s30 =	sld [smem:$0x0];
	_ =	sdelay $0x2  }
0xb8: {  	s31 =	sshll.u32 s1, $0xD;
	s1 =	sshrl.u32 s1, $0x2  }
0xb9: {  	s3 =	sand.u32 $0x4000, s31;
	s1 =	sadd.s32 s1, s30  }
0xba: {  	s0 =	sor.u32 s3, s0;
	s1 =	sshll.u32 s1, $0x11  }
0xbb: {  	s0 =	sor.u32 s1, s0  }
0xbc: {  	s0 =	sadd.s32 $0x8F2B, s0  }
0xbd: {  	[sflag:s0] =	ssyncadd.remote.s32 $0x1  }
0xbe: {  	_ =	sfence.sel $0xFFFF  }
0xbf: {  	[dreg:$0x0] =	wrdreg $0xFFFFFFFF;
	(pc) =	sbr.abs _section_cstart, $3  }
0xc0: {  	[dreg:$0x1] =	wrdreg $0xFFFFFFFF  }
0xc1: {  	_ =	task.clear_ibuf [dreg:s6], $0x2FFFF;
	_ =	strace $0x9FFFFFFF  }
0xc2: {  	(tm) =	ssettm $0x7FFFFFFF  }
0xc3: {  	_ =	shalt  }
tec
execute0_lowered:
.L_overlay_start_1:
0x0: {  	(tag) =	ssettag $0x1  }
0x1: {  	s4 =	rddreg [dreg:$0x0]  }
0x2: {  	s0 =	srdreg.scid;
	s2 =	rddreg [dreg:$0x1]  }
0x3: {  	s1 =	rddreg [dreg:$0x2];
	s5 =	sand.u32 $0x1, s0  }
0x4: {  	s0 =	stileid.u32;
	s6 =	smul.u32 $0x50000, s5  }
0x5: {  	s3 =	simm.s32 $0x0;
	s10 =	simm.s32 $0x80;
	s7 =	smul.u32 $0x5000, s0  }
0x6: {  	s11 =	simm.s32 $0x1;
	s14 =	simm.s32 $0x0;
	s8 =	smul.u32 $0x140, s0  }
0x7: {  	[smem:$0x7FF] =	sst s3;
	s9 =	smul.u32 $0x1400, s5;
	s5 =	ssub.s32 $0x2, s5  }
0x8: {  	_ =	strace $0x80000047;
	s12 =	sshll.u32 s0, $0x6;
	s31 =	sshrl.u32 s5, $0x1  }
0x9: {  	s12 =	sor.u32 $0x1C02, s12;
	s6 =	sadd.s32 s7, s6;
	s30 =	sadd.s32 s8, s9  }
0xa: {  	s9 =	ssub.s32 s5, s31;
	s6 =	sshrl.u32 s6, $0x3;
	s7 =	sshrl.u32 s30, $0x3  }
0xb: {  	s6 =	sadd.s32 s6, s4;
	s7 =	sadd.s32 s7, s4;
	s4 =	sadd.s32 s8, s2  }
0xc: {  	s8 =	simm.s32 $0x5000;
	s5 =	sadd.s32 $0x2A00, s6;
	s6 =	sadd.s32 $0x16A00, s7  }
0xd: {  	v0 =	vimm.f32 $0.0e+00;
	v1 =	vimm.f32 $1.000000000e+00;
	s7 =	smax.u32 s9, $0x1;
	s9 =	simm.s32 $0x2;
	s13 =	sshrl.u32 s4, $0x3  }
.LBB2_1:
0xe: {  	[tilespmem:$0x5000] =	vst v0  }
0xf: {  	[tilespmem:$0x5010] =	vst v0  }
0x10: {  	[tilespmem:$0x5020] =	vst v0  }
0x11: {  	[tilespmem:$0x5030] =	vst v0  }
0x12: {  	[tilespmem:$0x5040] =	vst v0  }
0x13: {  	[tilespmem:$0x5050] =	vst v0  }
0x14: {  	[tilespmem:$0x5060] =	vst v0  }
0x15: {  	[tilespmem:$0x5070] =	vst v0  }
0x16: {  	[tilespmem:$0x5080] =	vst v0  }
0x17: {  	[tilespmem:$0x5090] =	vst v0  }
0x18: {  	[tilespmem:$0x50A0] =	vst v0  }
0x19: {  	[tilespmem:$0x50B0] =	vst v0  }
0x1a: {  	[tilespmem:$0x50C0] =	vst v0  }
0x1b: {  	[tilespmem:$0x50D0] =	vst v0  }
0x1c: {  	[tilespmem:$0x50E0] =	vst v0  }
0x1d: {  	[tilespmem:$0x50F0] =	vst v0  }
0x1e: {  	[tilespmem:$0x5100] =	vst v0  }
0x1f: {  	[tilespmem:$0x5110] =	vst v0  }
0x20: {  	[tilespmem:$0x5120] =	vst v0  }
0x21: {  	[tilespmem:$0x5130] =	vst v0  }
0x22: {  	[spmem:s4] =	stream.linear.scatter [tilespmem:s8], [sflag:$0x2], $0x140, $0x38;
	[tilespmem:$0x5288] =	vst v63  }
0x23: {  	_ =	swait.ge [sflag:s9], $0x140  }
0x24: {  	[sflag:s9] =	ssyncset.done $0x0  }
0x25: {  	[sflag:s9] =	ssyncadd.s32 $0xFFFFFEC0  }
0x26: {  	[bflag:$0x0] =	sbarrier.arrive $0xFFFF  }
0x27: {  	[tilespmem:$0x5000] =	vst v1  }
0x28: {  	[tilespmem:$0x5010] =	vst v1  }
0x29: {  	[tilespmem:$0x5020] =	vst v1  }
0x2a: {  	[tilespmem:$0x5030] =	vst v1  }
0x2b: {  	[tilespmem:$0x5040] =	vst v1  }
0x2c: {  	[tilespmem:$0x5050] =	vst v1  }
0x2d: {  	[tilespmem:$0x5060] =	vst v1  }
0x2e: {  	[tilespmem:$0x5070] =	vst v1  }
0x2f: {  	[tilespmem:s3], [sflag:$0x2] =	stream.linear.gather [hbm4b:s5+s3], $0x5000, $0x38;
	[tilespmem:$0x5288] =	vst v63  }
0x30: {  	_ =	swait.ge [sflag:s9], $0x5000  }
0x31: {  	p0 =	por $0x1, $0x1;
	[sflag:s9] =	ssyncset.done $0x0  }
0x32: {  	s17 =	simm.s32 @!p0 $0x1;
	[sflag:s9] =	ssyncadd.s32 $0xFFFFB000  }
0x33: {  	[spmem:s2] =	stream.indirect.scatter.add.f32 [tilespmem:s8], [sflag:$0x1], $0x1, s3, s10, $0xb8;
	[tilespmem:$0x5288] =	vst v63  }
0x34: {  	_ =	swait.ge @!p0 [sflag:s17], $0x80  }
0x35: {  	s15 =	simm.s32 $0x1;
	s16 =	simm.s32 $0x0;
	[sflag:s17] =	ssyncset.done @!p0 $0x0  }
.LBB2_2:
0x36: {  	[sflag:s17] =	ssyncadd.s32 @!p0 $0xFFFFFF80  }
0x37: {  	s16 =	sadd.s32 $0x80, s16;
	s17 =	smov.u32 s15;
	s15 =	sadd.s32 $0x1, s15  }
0x38: {  	p1 =	sne.s32 s15, $0xA0  }
0x39: {  	[spmem:s2] =	stream.indirect.scatter.add.f32 [tilespmem:s8], [sflag:$0x1], $0x1, s16, s10, $0xb8;
	[tilespmem:$0x5288] =	vst v63  }
.Ltmp0:
0x3a: {  	_ = 	snop;
	(pc) =	sbr.rel @p1 .LBB2_2-.Ltmp0, $4  }
0x3b: {  	p0 =	slt.u32 s17, $0x8  }
0x3c: {  	s17 =	simm.s32 @!p0 $0x1  }
0x3d: {  	_ =	swait.ge @!p0 [sflag:s17], $0x80  }
0x3e: {  	[sflag:s17] =	ssyncset.done @!p0 $0x0  }
0x3f: {  	[sflag:s17] =	ssyncadd.s32 @!p0 $0xFFFFFF80  }
0x40: {  	_ =	swait.ge [sflag:s11], $0x80  }
0x41: {  	[sflag:s11] =	ssyncset.done $0x0  }
0x42: {  	[sflag:s11] =	ssyncadd.s32 $0xFFFFFF80  }
0x43: {  	_ =	swait.ge [sflag:s11], $0x80  }
0x44: {  	[sflag:s11] =	ssyncset.done $0x0  }
0x45: {  	[sflag:s11] =	ssyncadd.s32 $0xFFFFFF80  }
0x46: {  	_ =	swait.ge [sflag:s11], $0x80  }
0x47: {  	[sflag:s11] =	ssyncset.done $0x0  }
0x48: {  	[sflag:s11] =	ssyncadd.s32 $0xFFFFFF80  }
0x49: {  	_ =	swait.ge [sflag:s11], $0x80  }
0x4a: {  	[sflag:s11] =	ssyncset.done $0x0  }
0x4b: {  	[sflag:s11] =	ssyncadd.s32 $0xFFFFFF80  }
0x4c: {  	_ =	swait.ge [sflag:s11], $0x80  }
0x4d: {  	[sflag:s11] =	ssyncset.done $0x0  }
0x4e: {  	[sflag:s11] =	ssyncadd.s32 $0xFFFFFF80  }
0x4f: {  	_ =	swait.ge [sflag:s11], $0x80  }
0x50: {  	[sflag:s11] =	ssyncset.done $0x0  }
0x51: {  	[sflag:s11] =	ssyncadd.s32 $0xFFFFFF80  }
0x52: {  	_ =	swait.ge [sflag:s11], $0x80  }
0x53: {  	[sflag:s11] =	ssyncset.done $0x0  }
0x54: {  	[sflag:s11] =	ssyncadd.s32 $0xFFFFFF80  }
0x55: {  	_ =	swait.ge [sflag:s11], $0x80  }
0x56: {  	s14 =	sadd.s32 $0x1, s14;
	[sflag:s11] =	ssyncset.done $0x0  }
0x57: {  	p0 =	sne.s32 s14, s7;
	[sflag:s11] =	ssyncadd.s32 $0xFFFFFF80  }
.Ltmp1:
0x58: {  	[bflag:$0x0] =	sbarrier.arrive $0xFFFF;
	(pc) =	sbr.rel @p0 .LBB2_1-.Ltmp1, $4  }
0x59: {  	[hbm:s6], [sflag:s12] =	dma.local [spmem:s13], $0x28  }
0x5a: {  	_ =	swait.ge [sflag:s9], $0x28  }
0x5b: {  	[sflag:s9] =	ssyncset.done $0x0  }
0x5c: {  	[sflag:s9] =	ssyncadd.s32 $0xFFFFFFD8  }
0x5d: {  	_ =	sfence.sel $0x180000  }
0x5e: {  	[bflag:$0x0] =	sbarrier.arrive $0xFFFF  }
0x5f: {  	p0 =	sne.s32 s0, $0x0;
	_ =	strace $0x90000047  }
0x60: {  	s0 =	sadd.s32 @!p0 $0x100000, s1;
	[bflag:$0x2] =	sbarrier.arrive $0xFFFF  }
0x61: {  	[sflag:s0] =	ssyncadd.tile.s32 @!p0 $0x1;
	_ =	shalt  }
.Lfunc_end2:
_tile_overlayer_lowered:
.L_overlay_start_2:
0x62: {  	(tag) =	ssettag $0x2  }
0x63: {  	s0 =	rddreg [dreg:$0x0];
	s2 =	stileid.u32  }
0x64: {  	s1 =	rddreg [dreg:$0x1];
	p0 =	sne.s32 s2, $0x0  }
0x65: {  	s3 =	rddreg [dreg:$0x2];
	[bflag:$0x3] =	sbarrier.arrive $0xFFFF;
	s2 =	simm.s32 @!p0 $0x1C02  }
0x66: {  	[timem:s3], [sflag:s2] =	dma.local @!p0 [hbm:s0], s1  }
0x67: {  	s0 =	simm.s32 @!p0 $0x2  }
0x68: {  	_ =	swait.ge @!p0 [sflag:s0], s1  }
0x69: {  	s1 =	ssub.s32 @!p0 $0x0, s1;
	[sflag:s0] =	ssyncset.done @!p0 $0x0  }
0x6a: {  	[sflag:s0] =	ssyncadd.s32 @!p0 s1  }
0x6b: {  	[bflag:$0x3] =	sbarrier.arrive $0xFFFF  }
0x6c: {  	_ =	shalt  }

</sc_bundles>
